<compile_context>
chip_gen: v7x
topology: tpu7x:2x2x1
jax: 0.10.2.dev20260603
libtpu: 0.0.44.dev20260713+nightly
codegen_flags: <defaults>
</compile_context>

<pallas_src>
import functools

import jax
import jax.numpy as jnp
from jax import lax
from jax.experimental import pallas as pl
from jax.experimental.pallas import tpu as pltpu
from jax.experimental.pallas import tpu_sc as plsc

_B, _K, _H, _W = 4, 17, 512, 512
_ROWS = _B * _K
_NPIX = _H * _W
_KEEP = int(_NPIX * 0.2)
_NBINS = 16384
_SHIFT = 17
_OUT_ROWS = 96
_NW = 32
_CHUNK_IMG_ROWS = 64
_CHUNK = _CHUNK_IMG_ROWS * _W
_NCHUNK = _NPIX // _CHUNK
_RWIN = 24.0
_INV2S2 = 1.0 / 32.0


def _hist_body(pred_hbm, kp_hbm, cnt_hbm, buf0, buf1, cnt_v, kp_v, sem0, sem1):
    wid = lax.axis_index("s") * 2 + lax.axis_index("c")

    pltpu.sync_copy(kp_hbm, kp_v)

    ones16 = jnp.ones((16,), jnp.float32)

    def accumulate(loss):
        bits = lax.bitcast_convert_type(loss, jnp.int32)
        bins = lax.shift_right_logical(bits, _SHIFT)
        plsc.addupdate_scatter(cnt_v, [bins], ones16)

    def chunk_src(r, cc):
        return pred_hbm.at[r, pl.ds(cc * _CHUNK_IMG_ROWS, _CHUNK_IMG_ROWS)]

    def zero_hist():
        @plsc.parallel_loop(0, _NBINS, step=16, unroll=8)
        def _(off):
            cnt_v[pl.ds(off, 16)] = jnp.zeros((16,), jnp.float32)

    def row_ctx(r):
        kvec = kp_v[pl.ds(r * 16, 16)]
        kx = kvec[0]
        ky = kvec[1]
        kyi = ky.astype(jnp.int32)
        wlo = jnp.clip(kyi - 26, 0, _H)
        whi = jnp.clip(kyi + 27, 0, _H)
        return kx, ky, wlo * _W, whi * _W

    def pure_range(buf, lo, hi):
        @plsc.parallel_loop(lo, hi, step=16, unroll=8)
        def _(off):
            yy = lax.shift_right_logical(off, 9)
            x0 = jnp.bitwise_and(off, _W - 1)
            v = buf[yy, pl.ds(x0, 16)]
            accumulate(v * v)

    def win_range(buf, lo, hi, a, kx, ky):
        def wbody(iy, carry):
            off = lo + iy * _W
            y = lax.shift_right_logical(a + off, 9)
            dy = y.astype(jnp.float32) - ky
            dy2 = dy * dy

            yloc = lax.shift_right_logical(off, 9)

            @plsc.parallel_loop(0, _W, step=16, unroll=4)
            def _(x0):
                v = buf[yloc, pl.ds(x0, 16)]
                xv = (lax.iota(jnp.int32, 16) + x0).astype(jnp.float32)
                dx = xv - kx
                gt = jnp.exp((dx * dx + dy2) * (-_INV2S2))
                dlt = v - gt
                accumulate(dlt * dlt)
            return carry
        lax.fori_loop(0, (hi - lo) // _W, wbody, 0)

    def process_chunk(buf, cc, ctx):
        kx, ky, wstart, wend = ctx
        a = cc * _CHUNK
        p1 = jnp.clip(wstart, a, a + _CHUNK) - a
        p2 = jnp.clip(wend, a, a + _CHUNK) - a
        pure_range(buf, 0, p1)
        win_range(buf, p1, p2, a, kx, ky)
        pure_range(buf, p2, _CHUNK)

    def process_row(r):
        zero_hist()
        ctx = row_ctx(r)

        pltpu.async_copy(chunk_src(r, 0), buf0, sem0)

        def hbody(h, carry):
            c0 = 2 * h
            pltpu.async_copy(chunk_src(r, c0 + 1), buf1, sem1)
            pltpu.make_async_copy(chunk_src(r, c0), buf0, sem0).wait()
            process_chunk(buf0, c0, ctx)

            @pl.when(h < _NCHUNK // 2 - 1)
            def _():
                pltpu.async_copy(chunk_src(r, c0 + 2), buf0, sem0)

            pltpu.make_async_copy(chunk_src(r, c0 + 1), buf1, sem1).wait()
            process_chunk(buf1, c0 + 1, ctx)
            return carry
        lax.fori_loop(0, _NCHUNK // 2, hbody, 0)

        pltpu.sync_copy(cnt_v, cnt_hbm.at[r])

    def row_body(i, carry):
        process_row(wid + 32 * i)
        return carry
    lax.fori_loop(0, 2, row_body, 0)

    r8 = 64 + lax.shift_right_logical(wid, 3)
    s8 = jnp.bitwise_and(wid, 7)
    pltpu.async_copy(chunk_src(r8, s8), buf0, sem0)
    zero_hist()
    ctx8 = row_ctx(r8)
    pltpu.make_async_copy(chunk_src(r8, s8), buf0, sem0).wait()
    process_chunk(buf0, s8, ctx8)
    pltpu.sync_copy(cnt_v, cnt_hbm.at[64 + wid])


@functools.cache
def _hist():
    return pl.kernel(
        _hist_body,
        out_type=jax.ShapeDtypeStruct((_OUT_ROWS, _NBINS), jnp.float32),
        mesh=plsc.VectorSubcoreMesh(
            core_axis_name="c", subcore_axis_name="s", num_cores=2, num_subcores=16
        ),
        scratch_types=[
            pltpu.VMEM((_CHUNK_IMG_ROWS, _W), jnp.float32),
            pltpu.VMEM((_CHUNK_IMG_ROWS, _W), jnp.float32),
            pltpu.VMEM((_NBINS,), jnp.float32),
            pltpu.VMEM((16 * _ROWS,), jnp.float32),
            pltpu.SemaphoreType.DMA,
            pltpu.SemaphoreType.DMA,
        ],
        compiler_params=pltpu.CompilerParams(
            needs_layout_passes=False, use_tc_tiling_on_sc=True
        ),
    )


def _select_body(cnt_ref, out_ref):
    x = cnt_ref[...]
    head = x[0:64]
    tail = jnp.sum(x[64:96].reshape(4, 8, 128, 128), axis=1)
    cnt = jnp.concatenate([head, tail], axis=0)

    bii = (lax.broadcasted_iota(jnp.int32, (_ROWS, 128, 128), 1) * 128
           + lax.broadcasted_iota(jnp.int32, (_ROWS, 128, 128), 2))
    val = lax.bitcast_convert_type(
        lax.shift_left(bii, _SHIFT) + (1 << (_SHIFT - 1)), jnp.float32)
    val = jnp.where(bii >= (0x7F800000 >> _SHIFT), 0.0, val)
    sm = cnt * val

    i2 = lax.broadcasted_iota(jnp.int32, (128, 128), 0)
    j2 = lax.broadcasted_iota(jnp.int32, (128, 128), 1)
    t_incl = (i2 <= j2).astype(jnp.float32)
    t_strict = (i2 < j2).astype(jnp.float32)

    dn3 = (((2,), (0,)), ((), ()))
    fine_c = lax.dot_general(cnt, t_incl, dn3, preferred_element_type=jnp.float32)
    fine_s = lax.dot_general(sm, t_incl, dn3, preferred_element_type=jnp.float32)

    cs_c = jnp.sum(cnt, axis=2)
    cs_s = jnp.sum(sm, axis=2)
    dn2 = (((1,), (0,)), ((), ()))
    coarse_c = lax.dot_general(cs_c, t_strict, dn2, preferred_element_type=jnp.float32)
    coarse_s = lax.dot_general(cs_s, t_strict, dn2, preferred_element_type=jnp.float32)

    cum_c = coarse_c[:, :, None] + fine_c
    cum_s = coarse_s[:, :, None] + fine_s

    bi = bii.astype(jnp.float32)
    crossed = cum_c > float(_NPIX - _KEEP)
    bstar = jnp.min(jnp.where(crossed, bi, jnp.float32(3.0e7)), axis=2)
    bstar = jnp.min(bstar, axis=1, keepdims=True)
    sel = (bi == bstar[:, :, None]).astype(jnp.float32)

    def pick(x):
        return jnp.sum(jnp.sum(sel * x, axis=2), axis=1, keepdims=True)

    cum_c_b = pick(cum_c)
    cum_s_b = pick(cum_s)
    cnt_b = pick(cnt)
    sum_b = pick(sm)
    s_tot = jnp.sum(jnp.sum(sm, axis=2), axis=1, keepdims=True)

    need = float(_KEEP - _NPIX) + cum_c_b
    est = sum_b / jnp.maximum(cnt_b, 1.0)
    row_sum = (s_tot - cum_s_b) + need * est

    total = jnp.sum(row_sum)
    out_ref[...] = jnp.broadcast_to(total / float(_ROWS * _KEEP), (1, 1))


_select = pl.pallas_call(
    _select_body,
    out_shape=jax.ShapeDtypeStruct((1, 1), jnp.float32),
)


def kernel(pred_heatmap, gt_keypoints):
    pred_flat = pred_heatmap.reshape(_ROWS, _H, _W)
    kp_pad = jnp.zeros((_ROWS, 16), jnp.float32)
    kp_flat = kp_pad.at[:, :2].set(gt_keypoints.reshape(_ROWS, 2)).reshape(-1)
    cnt = _hist()(pred_flat, kp_flat)
    out = _select(cnt.reshape(_OUT_ROWS, 128, 128))
    return out.reshape(())

# --- scband reference (transcript-rebuilt; emitter-appended) ---
"""Pipeline reference for scband-keypoint-heatmap-loss-49632642072878 (READ-ONLY COPY).

The authoritative reference and input builder live on the scoring server;
editing this copy changes nothing except your own understanding.
"""

import jax, jax.numpy as jnp
import numpy as np

SIGMA = 4
TOP_K_PERCENT = 0.2
B, K, H, W = 4, 17, 512, 512


def generate_channel_heatmap(hw, keypoints, sigma):
    h, w = hw
    yy, xx = jnp.meshgrid(jnp.arange(h, dtype=jnp.float32), jnp.arange(w, dtype=jnp.float32), indexing='ij')
    kx = keypoints[..., 0][..., None, None]  # (B, K, 1, 1)
    ky = keypoints[..., 1][..., None, None]
    d2 = (xx[None, None, :, :] - kx) ** 2 + (yy[None, None, :, :] - ky) ** 2
    return jnp.exp(-d2 / (2.0 * float(sigma) * float(sigma)))


def setup_inputs(seed: int = 0):
    key = jax.random.key(seed)
    k1, k2 = jax.random.split(key)
    pred_heatmap = jax.random.normal(k1, (B, K, H, W), dtype=jnp.float32)
    gt_keypoints = jax.random.uniform(k2, (B, K, 2), dtype=jnp.float32) * float(W)
    return {"pred_heatmap": pred_heatmap, "gt_keypoints": gt_keypoints}


def reference(pred_heatmap, gt_keypoints):
    b, k, h, w = pred_heatmap.shape
    gt_heatmap = jax.lax.stop_gradient(generate_channel_heatmap((h, w), gt_keypoints, SIGMA))
    # criterion = mse, reduction='none'
    pixel_loss = (pred_heatmap - gt_heatmap) ** 2
    num_pixels = h * w
    num_keep = int(num_pixels * TOP_K_PERCENT)
    pixel_loss = pixel_loss.reshape(b, k, -1)
    topk_vals, _ = jax.lax.top_k(pixel_loss, num_keep)
    return jnp.mean(topk_vals)

if __name__ == "__main__":
    import jax
    _d = setup_inputs()
    print(jax.jit(kernel)(*tuple(_d.values())))

</pallas_src>

<mosaic_0001>
#map = affine_map<(d0, d1) -> (0, 0, 0)>
#map1 = affine_map<(d0, d1) -> (0)>
#map2 = affine_map<(d0, d1) -> (0, 0)>
module attributes {stable_mosaic.version = 14 : i64} {
  func.func @_hist_body(%arg0: i32, %arg1: i32, %arg2: memref<68x512x512xf32, #tpu.memory_space<hbm>>, %arg3: memref<1088xf32, #tpu.memory_space<hbm>>, %arg4: memref<96x16384xf32, #tpu.memory_space<hbm>>, %arg5: memref<64x512xf32, #tpu.memory_space<vmem>>, %arg6: memref<64x512xf32, #tpu.memory_space<vmem>>, %arg7: memref<16384xf32, #tpu.memory_space<vmem>>, %arg8: memref<1088xf32, #tpu.memory_space<vmem>>, %arg9: memref<!tpu.dma_semaphore, #tpu.memory_space<semaphore_mem>>, %arg10: memref<!tpu.dma_semaphore, #tpu.memory_space<semaphore_mem>>) attributes {dimension_semantics = [#tpu.dimension_semantics<core_parallel>, #tpu.dimension_semantics<subcore_parallel>], iteration_bounds = array<i64: 2, 16>, scalar_prefetch = 0 : i64, scratch_operands = 6 : i64, tpu.core_type = #tpu.core_type<sc_vector_subcore>, window_params = [{transform_indices = #map}, {transform_indices = #map1}, {transform_indices = #map2}]} {
    %mul3A = arith.constant 2 : i32
    %mul3A_0 = arith.muli %arg1, %mul3A : i32
    %add3A = arith.addi %mul3A_0, %arg0 : i32
    "tpu.region"() ({
      %run_scoped3A = tpu.sem_alloc : memref<!tpu.dma_semaphore, #tpu.memory_space<semaphore_mem>>
      tpu.enqueue_dma source(%arg3 : memref<1088xf32, #tpu.memory_space<hbm>>) target(%arg8 : memref<1088xf32, #tpu.memory_space<vmem>>) target_semaphore(%run_scoped3A : memref<!tpu.dma_semaphore, #tpu.memory_space<semaphore_mem>>)
      tpu.wait_dma2 semaphore(%run_scoped3A : memref<!tpu.dma_semaphore, #tpu.memory_space<semaphore_mem>>) src(%arg3 : memref<1088xf32, #tpu.memory_space<hbm>>) dst(%arg8 : memref<1088xf32, #tpu.memory_space<vmem>>)
      tpu.yield
    }) : () -> ()
    %broadcast_in_dim3A = arith.constant 1.000000e+00 : f32
    %broadcast_in_dim3A_1 = vector.broadcast %broadcast_in_dim3A : f32 to vector<16xf32>
    %scan3A = arith.constant 0 : i32
    %scan3A_2 = arith.constant 0 : i32
    %scan3A_3 = arith.constant 2 : i32
    %scan3A_4 = arith.addi %scan3A_2, %scan3A_3 : i32
    %scan3A_5 = arith.constant 1 : i32
    scf.for %scan3A_91 = %scan3A_2 to %scan3A_4 step %scan3A_5  : i32 {
      %mul3A_92 = arith.constant 32 : i32
      %mul3A_93 = arith.muli %mul3A_92, %scan3A_91 : i32
      %add3A_94 = arith.addi %add3A, %mul3A_93 : i32
      %parallel_loop3A_95 = arith.constant 0 : i32
      %parallel_loop3A_96 = arith.constant 16384 : i32
      %parallel_loop3A_97 = arith.constant 16 : i32
      scf.for %parallel_loop3A_137 = %parallel_loop3A_95 to %parallel_loop3A_96 step %parallel_loop3A_97  : i32 {
        %parallel_loop3A_138 = arith.constant 0.000000e+00 : f32
        %parallel_loop3A_139 = vector.broadcast %parallel_loop3A_138 : f32 to vector<16xf32>
        %parallel_loop3A_140 = arith.index_cast %parallel_loop3A_137 : i32 to index
        %parallel_loop3A_141 = tpu.vector_load %arg7[%parallel_loop3A_140] {strides = array<i32>} : memref<16384xf32, #tpu.memory_space<vmem>>, vector<16xf32>,
        tpu.vector_store %arg7[%parallel_loop3A_140], %parallel_loop3A_139 {strides = array<i32>} : memref<16384xf32, #tpu.memory_space<vmem>>, vector<16xf32>,
      } {sc.loop_unroll_factor = 8 : i64, sc.parallel_access}
      %mul3A_98 = arith.constant 16 : i32
      %mul3A_99 = arith.muli %add3A_94, %mul3A_98 : i32
      %get3A_100 = arith.index_cast %mul3A_99 : i32 to index
      %get3A_101 = tpu.vector_load %arg8[%get3A_100] {strides = array<i32>} : memref<1088xf32, #tpu.memory_space<vmem>>, vector<16xf32>,
      %slice3A_102 = vector.extract_strided_slice %get3A_101 {offsets = [0], sizes = [1], strides = [1]} : vector<16xf32> to vector<1xf32>
      %squeeze3A_103 = vector.extract %slice3A_102[0] : f32 from vector<1xf32>
      %slice3A_104 = vector.extract_strided_slice %get3A_101 {offsets = [1], sizes = [1], strides = [1]} : vector<16xf32> to vector<1xf32>
      %squeeze3A_105 = vector.extract %slice3A_104[0] : f32 from vector<1xf32>
      %convert_element_type3A_106 = arith.fptosi %squeeze3A_105 : f32 to i32
      %sub3A_107 = arith.constant 26 : i32
      %sub3A_108 = arith.subi %convert_element_type3A_106, %sub3A_107 : i32
      %jit3A_109 = arith.constant 0 : i32
      %jit3A_110 = arith.constant 512 : i32
      %max3A_111 = arith.maxsi %jit3A_109, %sub3A_108 : i32
      %min3A_112 = arith.minsi %jit3A_110, %max3A_111 : i32
      %add3A_113 = arith.constant 27 : i32
      %add3A_114 = arith.addi %convert_element_type3A_106, %add3A_113 : i32
      %jit3A_115 = arith.constant 0 : i32
      %jit3A_116 = arith.constant 512 : i32
      %max3A_117 = arith.maxsi %jit3A_115, %add3A_114 : i32
      %min3A_118 = arith.minsi %jit3A_116, %max3A_117 : i32
      %mul3A_119 = arith.constant 512 : i32
      %mul3A_120 = arith.muli %min3A_112, %mul3A_119 : i32
      %mul3A_121 = arith.constant 512 : i32
      %mul3A_122 = arith.muli %min3A_118, %mul3A_121 : i32
      %dma_start3A_123 = arith.constant 0 : i32
      %dma_start3A_124 = arith.constant 0 : i32
      %dma_start3A_125 = tpu.memref_slice %arg2[%add3A_94, %dma_start3A_123, %dma_start3A_124] : memref<68x512x512xf32, #tpu.memory_space<hbm>> -> memref<1x64x512xf32, #tpu.memory_space<hbm>>
      %dma_start3A_126 = tpu.memref_squeeze %dma_start3A_125 : memref<1x64x512xf32, #tpu.memory_space<hbm>> -> memref<64x512xf32, #tpu.memory_space<hbm>>
      %dma_start3A_127 = arith.constant 0 : i32
      %dma_start3A_128 = arith.constant 0 : i32
      %dma_start3A_129 = tpu.memref_slice %arg2[%add3A_94, %dma_start3A_127, %dma_start3A_128] : memref<68x512x512xf32, #tpu.memory_space<hbm>> -> memref<1x64x512xf32, #tpu.memory_space<hbm>>
      %dma_start3A_130 = tpu.memref_squeeze %dma_start3A_129 : memref<1x64x512xf32, #tpu.memory_space<hbm>> -> memref<64x512xf32, #tpu.memory_space<hbm>>
      tpu.enqueue_dma source(%dma_start3A_130 : memref<64x512xf32, #tpu.memory_space<hbm>>) target(%arg5 : memref<64x512xf32, #tpu.memory_space<vmem>>) target_semaphore(%arg9 : memref<!tpu.dma_semaphore, #tpu.memory_space<semaphore_mem>>)
      %scan3A_131 = arith.constant 0 : i32
      %scan3A_132 = arith.constant 0 : i32
      %scan3A_133 = arith.constant 4 : i32
      %scan3A_134 = arith.addi %scan3A_132, %scan3A_133 : i32
      %scan3A_135 = arith.constant 1 : i32
      scf.for %scan3A_137 = %scan3A_132 to %scan3A_134 step %scan3A_135  : i32 {
        %mul3A_138 = arith.constant 2 : i32
        %mul3A_139 = arith.muli %mul3A_138, %scan3A_137 : i32
        %add3A_140 = arith.constant 1 : i32
        %add3A_141 = arith.addi %mul3A_139, %add3A_140 : i32
        %mul3A_142 = arith.constant 64 : i32
        %mul3A_143 = arith.muli %add3A_141, %mul3A_142 : i32
        %dma_start3A_144 = arith.constant 0 : i32
        %dma_start3A_145 = tpu.memref_slice %arg2[%add3A_94, %mul3A_143, %dma_start3A_144] : memref<68x512x512xf32, #tpu.memory_space<hbm>> -> memref<1x64x512xf32, #tpu.memory_space<hbm>>
        %dma_start3A_146 = tpu.memref_squeeze %dma_start3A_145 : memref<1x64x512xf32, #tpu.memory_space<hbm>> -> memref<64x512xf32, #tpu.memory_space<hbm>>
        %dma_start3A_147 = arith.constant 0 : i32
        %dma_start3A_148 = tpu.memref_slice %arg2[%add3A_94, %mul3A_143, %dma_start3A_147] : memref<68x512x512xf32, #tpu.memory_space<hbm>> -> memref<1x64x512xf32, #tpu.memory_space<hbm>>
        %dma_start3A_149 = tpu.memref_squeeze %dma_start3A_148 : memref<1x64x512xf32, #tpu.memory_space<hbm>> -> memref<64x512xf32, #tpu.memory_space<hbm>>
        tpu.enqueue_dma source(%dma_start3A_149 : memref<64x512xf32, #tpu.memory_space<hbm>>) target(%arg6 : memref<64x512xf32, #tpu.memory_space<vmem>>) target_semaphore(%arg10 : memref<!tpu.dma_semaphore, #tpu.memory_space<semaphore_mem>>)
        %mul3A_150 = arith.constant 64 : i32
        %mul3A_151 = arith.muli %mul3A_139, %mul3A_150 : i32
        %dma_wait3A_152 = arith.constant 0 : i32
        %dma_wait3A_153 = tpu.memref_slice %arg2[%add3A_94, %mul3A_151, %dma_wait3A_152] : memref<68x512x512xf32, #tpu.memory_space<hbm>> -> memref<1x64x512xf32, #tpu.memory_space<hbm>>
        %dma_wait3A_154 = tpu.memref_squeeze %dma_wait3A_153 : memref<1x64x512xf32, #tpu.memory_space<hbm>> -> memref<64x512xf32, #tpu.memory_space<hbm>>
        %dma_wait3A_155 = arith.constant 0 : i32
        %dma_wait3A_156 = tpu.memref_slice %arg2[%add3A_94, %mul3A_151, %dma_wait3A_155] : memref<68x512x512xf32, #tpu.memory_space<hbm>> -> memref<1x64x512xf32, #tpu.memory_space<hbm>>
        %dma_wait3A_157 = tpu.memref_squeeze %dma_wait3A_156 : memref<1x64x512xf32, #tpu.memory_space<hbm>> -> memref<64x512xf32, #tpu.memory_space<hbm>>
        tpu.wait_dma2 semaphore(%arg9 : memref<!tpu.dma_semaphore, #tpu.memory_space<semaphore_mem>>) src(%dma_wait3A_157 : memref<64x512xf32, #tpu.memory_space<hbm>>) dst(%arg5 : memref<64x512xf32, #tpu.memory_space<vmem>>)
        %mul3A_158 = arith.constant 32768 : i32
        %mul3A_159 = arith.muli %mul3A_139, %mul3A_158 : i32
        %add3A_160 = arith.constant 32768 : i32
        %add3A_161 = arith.addi %mul3A_159, %add3A_160 : i32
        %max3A_162 = arith.maxsi %mul3A_159, %mul3A_120 : i32
        %min3A_163 = arith.minsi %add3A_161, %max3A_162 : i32
        %sub3A_164 = arith.subi %min3A_163, %mul3A_159 : i32
        %add3A_165 = arith.constant 32768 : i32
        %add3A_166 = arith.addi %mul3A_159, %add3A_165 : i32
        %max3A_167 = arith.maxsi %mul3A_159, %mul3A_122 : i32
        %min3A_168 = arith.minsi %add3A_166, %max3A_167 : i32
        %sub3A_169 = arith.subi %min3A_168, %mul3A_159 : i32
        %parallel_loop3A_170 = arith.constant 0 : i32
        %parallel_loop3A_171 = arith.constant 16 : i32
        scf.for %parallel_loop3A_275 = %parallel_loop3A_170 to %sub3A_164 step %parallel_loop3A_171  : i32 {
          %parallel_loop3A_276 = arith.constant 9 : i32
          %parallel_loop3A_277 = arith.shrui %parallel_loop3A_275, %parallel_loop3A_276 : i32
          %parallel_loop3A_278 = arith.constant 511 : i32
          %parallel_loop3A_279 = arith.andi %parallel_loop3A_275, %parallel_loop3A_278 : i32
          %parallel_loop3A_280 = arith.index_cast %parallel_loop3A_277 : i32 to index
          %parallel_loop3A_281 = arith.index_cast %parallel_loop3A_279 : i32 to index
          %parallel_loop3A_282 = tpu.vector_load %arg5[%parallel_loop3A_280, %parallel_loop3A_281] {strides = array<i32>} : memref<64x512xf32, #tpu.memory_space<vmem>>, vector<16xf32>,
          %parallel_loop3A_283 = arith.mulf %parallel_loop3A_282, %parallel_loop3A_282 : vector<16xf32>
          %parallel_loop3A_284 = tpu.bitcast %parallel_loop3A_283 : vector<16xf32> -> vector<16xi32>
          %parallel_loop3A_285 = arith.constant 17 : i32
          %parallel_loop3A_286 = vector.broadcast %parallel_loop3A_285 : i32 to vector<16xi32>
          %parallel_loop3A_287 = arith.shrui %parallel_loop3A_284, %parallel_loop3A_286 : vector<16xi32>
          tpu.vector_store_idx %arg7[%parallel_loop3A_287], %broadcast_in_dim3A_1 {add = true} : memref<16384xf32, #tpu.memory_space<vmem>>[vector<16xi32>], vector<16xf32>,
        } {sc.loop_unroll_factor = 8 : i64, sc.parallel_access}
        %sub3A_172 = arith.subi %sub3A_169, %sub3A_164 : i32
        %jit3A_173 = arith.constant 512 : i32
        %div3A_174 = arith.divsi %sub3A_172, %jit3A_173 : i32
        %sign3A_175 = arith.constant 0 : i32
        %sign3A_176 = arith.cmpi sgt, %sub3A_172, %sign3A_175 : i32
        %sign3A_177 = arith.extui %sign3A_176 : i1 to i32
        %sign3A_178 = arith.constant 0 : i32
        %sign3A_179 = arith.cmpi slt, %sub3A_172, %sign3A_178 : i32
        %sign3A_180 = arith.extui %sign3A_179 : i1 to i32
        %sign3A_181 = arith.subi %sign3A_177, %sign3A_180 : i32
        %sign3A_182 = arith.constant 0 : i32
        %sign3A_183 = arith.cmpi sgt, %jit3A_173, %sign3A_182 : i32
        %sign3A_184 = arith.extui %sign3A_183 : i1 to i32
        %sign3A_185 = arith.constant 0 : i32
        %sign3A_186 = arith.cmpi slt, %jit3A_173, %sign3A_185 : i32
        %sign3A_187 = arith.extui %sign3A_186 : i1 to i32
        %sign3A_188 = arith.subi %sign3A_184, %sign3A_187 : i32
        %ne3A_189 = arith.cmpi ne, %sign3A_181, %sign3A_188 : i32
        %rem3A_190 = arith.remsi %sub3A_172, %jit3A_173 : i32
        %ne3A_191 = arith.constant 0 : i32
        %ne3A_192 = arith.cmpi ne, %rem3A_190, %ne3A_191 : i32
        %and3A_193 = arith.andi %ne3A_189, %ne3A_192 : i1
        %sub3A_194 = arith.constant 1 : i32
        %sub3A_195 = arith.subi %div3A_174, %sub3A_194 : i32
        %select_n3A_196 = arith.select %and3A_193, %sub3A_195, %div3A_174 : i32
        %while3A_197 = arith.constant 0 : i32
        %while3A_198 = arith.constant 0 : i32
        %while3A_199 = arith.subi %select_n3A_196, %while3A_198 : i32
        %while3A_200 = arith.addi %while3A_198, %while3A_199 : i32
        %while3A_201 = arith.constant 1 : i32
        %while3A_202 = arith.divsi %while3A_199, %while3A_201 : i32
        %while3A_203 = arith.muli %while3A_202, %while3A_201 : i32
        %while3A_204 = arith.addi %while3A_198, %while3A_203 : i32
        %while3A_205 = arith.constant 1 : i32
        scf.for %while3A_275 = %while3A_198 to %while3A_204 step %while3A_205  : i32 {
          %mul3A_276 = arith.constant 512 : i32
          %mul3A_277 = arith.muli %while3A_275, %mul3A_276 : i32
          %add3A_278 = arith.addi %sub3A_164, %mul3A_277 : i32
          %add3A_279 = arith.addi %mul3A_159, %add3A_278 : i32
          %shift_right_logical3A_280 = arith.constant 9 : i32
          %shift_right_logical3A_281 = arith.shrui %add3A_279, %shift_right_logical3A_280 : i32
          %convert_element_type3A_282 = arith.sitofp %shift_right_logical3A_281 : i32 to f32
          %sub3A_283 = arith.subf %convert_element_type3A_282, %squeeze3A_105 : f32
          %mul3A_284 = arith.mulf %sub3A_283, %sub3A_283 : f32
          %shift_right_logical3A_285 = arith.constant 9 : i32
          %shift_right_logical3A_286 = arith.shrui %add3A_278, %shift_right_logical3A_285 : i32
          %parallel_loop3A_287 = arith.constant 0 : i32
          %parallel_loop3A_288 = arith.constant 512 : i32
          %parallel_loop3A_289 = arith.constant 16 : i32
          scf.for %parallel_loop3A_290 = %parallel_loop3A_287 to %parallel_loop3A_288 step %parallel_loop3A_289  : i32 {
            %parallel_loop3A_291 = arith.index_cast %shift_right_logical3A_286 : i32 to index
            %parallel_loop3A_292 = arith.index_cast %parallel_loop3A_290 : i32 to index
            %parallel_loop3A_293 = tpu.vector_load %arg5[%parallel_loop3A_291, %parallel_loop3A_292] {strides = array<i32>} : memref<64x512xf32, #tpu.memory_space<vmem>>, vector<16xf32>,
            %parallel_loop3A_294 = tpu.iota {dimensions = array<i32: 0>} : vector<16xi32>
            %parallel_loop3A_295 = vector.broadcast %parallel_loop3A_290 : i32 to vector<16xi32>
            %parallel_loop3A_296 = arith.addi %parallel_loop3A_294, %parallel_loop3A_295 : vector<16xi32>
            %parallel_loop3A_297 = arith.sitofp %parallel_loop3A_296 : vector<16xi32> to vector<16xf32>
            %parallel_loop3A_298 = vector.broadcast %squeeze3A_103 : f32 to vector<16xf32>
            %parallel_loop3A_299 = arith.subf %parallel_loop3A_297, %parallel_loop3A_298 : vector<16xf32>
            %parallel_loop3A_300 = arith.mulf %parallel_loop3A_299, %parallel_loop3A_299 : vector<16xf32>
            %parallel_loop3A_301 = vector.broadcast %mul3A_284 : f32 to vector<16xf32>
            %parallel_loop3A_302 = arith.addf %parallel_loop3A_300, %parallel_loop3A_301 : vector<16xf32>
            %parallel_loop3A_303 = arith.constant -3.125000e-02 : f32
            %parallel_loop3A_304 = vector.broadcast %parallel_loop3A_303 : f32 to vector<16xf32>
            %parallel_loop3A_305 = arith.mulf %parallel_loop3A_302, %parallel_loop3A_304 : vector<16xf32>
            %parallel_loop3A_306 = math.exp %parallel_loop3A_305 : vector<16xf32>
            %parallel_loop3A_307 = arith.subf %parallel_loop3A_293, %parallel_loop3A_306 : vector<16xf32>
            %parallel_loop3A_308 = arith.mulf %parallel_loop3A_307, %parallel_loop3A_307 : vector<16xf32>
            %parallel_loop3A_309 = tpu.bitcast %parallel_loop3A_308 : vector<16xf32> -> vector<16xi32>
            %parallel_loop3A_310 = arith.constant 17 : i32
            %parallel_loop3A_311 = vector.broadcast %parallel_loop3A_310 : i32 to vector<16xi32>
            %parallel_loop3A_312 = arith.shrui %parallel_loop3A_309, %parallel_loop3A_311 : vector<16xi32>
            tpu.vector_store_idx %arg7[%parallel_loop3A_312], %broadcast_in_dim3A_1 {add = true} : memref<16384xf32, #tpu.memory_space<vmem>>[vector<16xi32>], vector<16xf32>,
          } {sc.loop_unroll_factor = 4 : i64, sc.parallel_access}
        }
        %while3A_206 = arith.constant 1 : i32
        scf.for %while3A_275 = %while3A_204 to %while3A_200 step %while3A_206  : i32 {
          %mul3A_276 = arith.constant 512 : i32
          %mul3A_277 = arith.muli %while3A_275, %mul3A_276 : i32
          %add3A_278 = arith.addi %sub3A_164, %mul3A_277 : i32
          %add3A_279 = arith.addi %mul3A_159, %add3A_278 : i32
          %shift_right_logical3A_280 = arith.constant 9 : i32
          %shift_right_logical3A_281 = arith.shrui %add3A_279, %shift_right_logical3A_280 : i32
          %convert_element_type3A_282 = arith.sitofp %shift_right_logical3A_281 : i32 to f32
          %sub3A_283 = arith.subf %convert_element_type3A_282, %squeeze3A_105 : f32
          %mul3A_284 = arith.mulf %sub3A_283, %sub3A_283 : f32
          %shift_right_logical3A_285 = arith.constant 9 : i32
          %shift_right_logical3A_286 = arith.shrui %add3A_278, %shift_right_logical3A_285 : i32
          %parallel_loop3A_287 = arith.constant 0 : i32
          %parallel_loop3A_288 = arith.constant 512 : i32
          %parallel_loop3A_289 = arith.constant 16 : i32
          scf.for %parallel_loop3A_290 = %parallel_loop3A_287 to %parallel_loop3A_288 step %parallel_loop3A_289  : i32 {
            %parallel_loop3A_291 = arith.index_cast %shift_right_logical3A_286 : i32 to index
            %parallel_loop3A_292 = arith.index_cast %parallel_loop3A_290 : i32 to index
            %parallel_loop3A_293 = tpu.vector_load %arg5[%parallel_loop3A_291, %parallel_loop3A_292] {strides = array<i32>} : memref<64x512xf32, #tpu.memory_space<vmem>>, vector<16xf32>,
            %parallel_loop3A_294 = tpu.iota {dimensions = array<i32: 0>} : vector<16xi32>
            %parallel_loop3A_295 = vector.broadcast %parallel_loop3A_290 : i32 to vector<16xi32>
            %parallel_loop3A_296 = arith.addi %parallel_loop3A_294, %parallel_loop3A_295 : vector<16xi32>
            %parallel_loop3A_297 = arith.sitofp %parallel_loop3A_296 : vector<16xi32> to vector<16xf32>
            %parallel_loop3A_298 = vector.broadcast %squeeze3A_103 : f32 to vector<16xf32>
            %parallel_loop3A_299 = arith.subf %parallel_loop3A_297, %parallel_loop3A_298 : vector<16xf32>
            %parallel_loop3A_300 = arith.mulf %parallel_loop3A_299, %parallel_loop3A_299 : vector<16xf32>
            %parallel_loop3A_301 = vector.broadcast %mul3A_284 : f32 to vector<16xf32>
            %parallel_loop3A_302 = arith.addf %parallel_loop3A_300, %parallel_loop3A_301 : vector<16xf32>
            %parallel_loop3A_303 = arith.constant -3.125000e-02 : f32
            %parallel_loop3A_304 = vector.broadcast %parallel_loop3A_303 : f32 to vector<16xf32>
            %parallel_loop3A_305 = arith.mulf %parallel_loop3A_302, %parallel_loop3A_304 : vector<16xf32>
            %parallel_loop3A_306 = math.exp %parallel_loop3A_305 : vector<16xf32>
            %parallel_loop3A_307 = arith.subf %parallel_loop3A_293, %parallel_loop3A_306 : vector<16xf32>
            %parallel_loop3A_308 = arith.mulf %parallel_loop3A_307, %parallel_loop3A_307 : vector<16xf32>
            %parallel_loop3A_309 = tpu.bitcast %parallel_loop3A_308 : vector<16xf32> -> vector<16xi32>
            %parallel_loop3A_310 = arith.constant 17 : i32
            %parallel_loop3A_311 = vector.broadcast %parallel_loop3A_310 : i32 to vector<16xi32>
            %parallel_loop3A_312 = arith.shrui %parallel_loop3A_309, %parallel_loop3A_311 : vector<16xi32>
            tpu.vector_store_idx %arg7[%parallel_loop3A_312], %broadcast_in_dim3A_1 {add = true} : memref<16384xf32, #tpu.memory_space<vmem>>[vector<16xi32>], vector<16xf32>,
          } {sc.loop_unroll_factor = 4 : i64, sc.parallel_access}
        }
        %parallel_loop3A_207 = arith.constant 32768 : i32
        %parallel_loop3A_208 = arith.constant 16 : i32
        scf.for %parallel_loop3A_275 = %sub3A_169 to %parallel_loop3A_207 step %parallel_loop3A_208  : i32 {
          %parallel_loop3A_276 = arith.constant 9 : i32
          %parallel_loop3A_277 = arith.shrui %parallel_loop3A_275, %parallel_loop3A_276 : i32
          %parallel_loop3A_278 = arith.constant 511 : i32
          %parallel_loop3A_279 = arith.andi %parallel_loop3A_275, %parallel_loop3A_278 : i32
          %parallel_loop3A_280 = arith.index_cast %parallel_loop3A_277 : i32 to index
          %parallel_loop3A_281 = arith.index_cast %parallel_loop3A_279 : i32 to index
          %parallel_loop3A_282 = tpu.vector_load %arg5[%parallel_loop3A_280, %parallel_loop3A_281] {strides = array<i32>} : memref<64x512xf32, #tpu.memory_space<vmem>>, vector<16xf32>,
          %parallel_loop3A_283 = arith.mulf %parallel_loop3A_282, %parallel_loop3A_282 : vector<16xf32>
          %parallel_loop3A_284 = tpu.bitcast %parallel_loop3A_283 : vector<16xf32> -> vector<16xi32>
          %parallel_loop3A_285 = arith.constant 17 : i32
          %parallel_loop3A_286 = vector.broadcast %parallel_loop3A_285 : i32 to vector<16xi32>
          %parallel_loop3A_287 = arith.shrui %parallel_loop3A_284, %parallel_loop3A_286 : vector<16xi32>
          tpu.vector_store_idx %arg7[%parallel_loop3A_287], %broadcast_in_dim3A_1 {add = true} : memref<16384xf32, #tpu.memory_space<vmem>>[vector<16xi32>], vector<16xf32>,
        } {sc.loop_unroll_factor = 8 : i64, sc.parallel_access}
        %lt3A = arith.constant 3 : i32
        %lt3A_209 = arith.cmpi slt, %scan3A_137, %lt3A : i32
        %convert_element_type3A_210 = arith.extui %lt3A_209 : i1 to i32
        %cond3A = arith.constant 0 : i32
        %cond3A_211 = arith.cmpi ne, %convert_element_type3A_210, %cond3A : i32
        scf.if %cond3A_211 {
          %add3A_275 = arith.constant 2 : i32
          %add3A_276 = arith.addi %mul3A_139, %add3A_275 : i32
          %mul3A_277 = arith.constant 64 : i32
          %mul3A_278 = arith.muli %add3A_276, %mul3A_277 : i32
          %dma_start3A_279 = arith.constant 0 : i32
          %dma_start3A_280 = tpu.memref_slice %arg2[%add3A_94, %mul3A_278, %dma_start3A_279] : memref<68x512x512xf32, #tpu.memory_space<hbm>> -> memref<1x64x512xf32, #tpu.memory_space<hbm>>
          %dma_start3A_281 = tpu.memref_squeeze %dma_start3A_280 : memref<1x64x512xf32, #tpu.memory_space<hbm>> -> memref<64x512xf32, #tpu.memory_space<hbm>>
          %dma_start3A_282 = arith.constant 0 : i32
          %dma_start3A_283 = tpu.memref_slice %arg2[%add3A_94, %mul3A_278, %dma_start3A_282] : memref<68x512x512xf32, #tpu.memory_space<hbm>> -> memref<1x64x512xf32, #tpu.memory_space<hbm>>
          %dma_start3A_284 = tpu.memref_squeeze %dma_start3A_283 : memref<1x64x512xf32, #tpu.memory_space<hbm>> -> memref<64x512xf32, #tpu.memory_space<hbm>>
          tpu.enqueue_dma source(%dma_start3A_284 : memref<64x512xf32, #tpu.memory_space<hbm>>) target(%arg5 : memref<64x512xf32, #tpu.memory_space<vmem>>) target_semaphore(%arg9 : memref<!tpu.dma_semaphore, #tpu.memory_space<semaphore_mem>>)
        } else {
        }
        %add3A_212 = arith.constant 1 : i32
        %add3A_213 = arith.addi %mul3A_139, %add3A_212 : i32
        %mul3A_214 = arith.constant 64 : i32
        %mul3A_215 = arith.muli %add3A_213, %mul3A_214 : i32
        %dma_wait3A_216 = arith.constant 0 : i32
        %dma_wait3A_217 = tpu.memref_slice %arg2[%add3A_94, %mul3A_215, %dma_wait3A_216] : memref<68x512x512xf32, #tpu.memory_space<hbm>> -> memref<1x64x512xf32, #tpu.memory_space<hbm>>
        %dma_wait3A_218 = tpu.memref_squeeze %dma_wait3A_217 : memref<1x64x512xf32, #tpu.memory_space<hbm>> -> memref<64x512xf32, #tpu.memory_space<hbm>>
        %dma_wait3A_219 = arith.constant 0 : i32
        %dma_wait3A_220 = tpu.memref_slice %arg2[%add3A_94, %mul3A_215, %dma_wait3A_219] : memref<68x512x512xf32, #tpu.memory_space<hbm>> -> memref<1x64x512xf32, #tpu.memory_space<hbm>>
        %dma_wait3A_221 = tpu.memref_squeeze %dma_wait3A_220 : memref<1x64x512xf32, #tpu.memory_space<hbm>> -> memref<64x512xf32, #tpu.memory_space<hbm>>
        tpu.wait_dma2 semaphore(%arg10 : memref<!tpu.dma_semaphore, #tpu.memory_space<semaphore_mem>>) src(%dma_wait3A_221 : memref<64x512xf32, #tpu.memory_space<hbm>>) dst(%arg6 : memref<64x512xf32, #tpu.memory_space<vmem>>)
        %add3A_222 = arith.constant 1 : i32
        %add3A_223 = arith.addi %mul3A_139, %add3A_222 : i32
        %mul3A_224 = arith.constant 32768 : i32
        %mul3A_225 = arith.muli %add3A_223, %mul3A_224 : i32
        %add3A_226 = arith.constant 32768 : i32
        %add3A_227 = arith.addi %mul3A_225, %add3A_226 : i32
        %max3A_228 = arith.maxsi %mul3A_225, %mul3A_120 : i32
        %min3A_229 = arith.minsi %add3A_227, %max3A_228 : i32
        %sub3A_230 = arith.subi %min3A_229, %mul3A_225 : i32
        %add3A_231 = arith.constant 32768 : i32
        %add3A_232 = arith.addi %mul3A_225, %add3A_231 : i32
        %max3A_233 = arith.maxsi %mul3A_225, %mul3A_122 : i32
        %min3A_234 = arith.minsi %add3A_232, %max3A_233 : i32
        %sub3A_235 = arith.subi %min3A_234, %mul3A_225 : i32
        %parallel_loop3A_236 = arith.constant 0 : i32
        %parallel_loop3A_237 = arith.constant 16 : i32
        scf.for %parallel_loop3A_275 = %parallel_loop3A_236 to %sub3A_230 step %parallel_loop3A_237  : i32 {
          %parallel_loop3A_276 = arith.constant 9 : i32
          %parallel_loop3A_277 = arith.shrui %parallel_loop3A_275, %parallel_loop3A_276 : i32
          %parallel_loop3A_278 = arith.constant 511 : i32
          %parallel_loop3A_279 = arith.andi %parallel_loop3A_275, %parallel_loop3A_278 : i32
          %parallel_loop3A_280 = arith.index_cast %parallel_loop3A_277 : i32 to index
          %parallel_loop3A_281 = arith.index_cast %parallel_loop3A_279 : i32 to index
          %parallel_loop3A_282 = tpu.vector_load %arg6[%parallel_loop3A_280, %parallel_loop3A_281] {strides = array<i32>} : memref<64x512xf32, #tpu.memory_space<vmem>>, vector<16xf32>,
          %parallel_loop3A_283 = arith.mulf %parallel_loop3A_282, %parallel_loop3A_282 : vector<16xf32>
          %parallel_loop3A_284 = tpu.bitcast %parallel_loop3A_283 : vector<16xf32> -> vector<16xi32>
          %parallel_loop3A_285 = arith.constant 17 : i32
          %parallel_loop3A_286 = vector.broadcast %parallel_loop3A_285 : i32 to vector<16xi32>
          %parallel_loop3A_287 = arith.shrui %parallel_loop3A_284, %parallel_loop3A_286 : vector<16xi32>
          tpu.vector_store_idx %arg7[%parallel_loop3A_287], %broadcast_in_dim3A_1 {add = true} : memref<16384xf32, #tpu.memory_space<vmem>>[vector<16xi32>], vector<16xf32>,
        } {sc.loop_unroll_factor = 8 : i64, sc.parallel_access}
        %sub3A_238 = arith.subi %sub3A_235, %sub3A_230 : i32
        %jit3A_239 = arith.constant 512 : i32
        %div3A_240 = arith.divsi %sub3A_238, %jit3A_239 : i32
        %sign3A_241 = arith.constant 0 : i32
        %sign3A_242 = arith.cmpi sgt, %sub3A_238, %sign3A_241 : i32
        %sign3A_243 = arith.extui %sign3A_242 : i1 to i32
        %sign3A_244 = arith.constant 0 : i32
        %sign3A_245 = arith.cmpi slt, %sub3A_238, %sign3A_244 : i32
        %sign3A_246 = arith.extui %sign3A_245 : i1 to i32
        %sign3A_247 = arith.subi %sign3A_243, %sign3A_246 : i32
        %sign3A_248 = arith.constant 0 : i32
        %sign3A_249 = arith.cmpi sgt, %jit3A_239, %sign3A_248 : i32
        %sign3A_250 = arith.extui %sign3A_249 : i1 to i32
        %sign3A_251 = arith.constant 0 : i32
        %sign3A_252 = arith.cmpi slt, %jit3A_239, %sign3A_251 : i32
        %sign3A_253 = arith.extui %sign3A_252 : i1 to i32
        %sign3A_254 = arith.subi %sign3A_250, %sign3A_253 : i32
        %ne3A_255 = arith.cmpi ne, %sign3A_247, %sign3A_254 : i32
        %rem3A_256 = arith.remsi %sub3A_238, %jit3A_239 : i32
        %ne3A_257 = arith.constant 0 : i32
        %ne3A_258 = arith.cmpi ne, %rem3A_256, %ne3A_257 : i32
        %and3A_259 = arith.andi %ne3A_255, %ne3A_258 : i1
        %sub3A_260 = arith.constant 1 : i32
        %sub3A_261 = arith.subi %div3A_240, %sub3A_260 : i32
        %select_n3A_262 = arith.select %and3A_259, %sub3A_261, %div3A_240 : i32
        %while3A_263 = arith.constant 0 : i32
        %while3A_264 = arith.constant 0 : i32
        %while3A_265 = arith.subi %select_n3A_262, %while3A_264 : i32
        %while3A_266 = arith.addi %while3A_264, %while3A_265 : i32
        %while3A_267 = arith.constant 1 : i32
        %while3A_268 = arith.divsi %while3A_265, %while3A_267 : i32
        %while3A_269 = arith.muli %while3A_268, %while3A_267 : i32
        %while3A_270 = arith.addi %while3A_264, %while3A_269 : i32
        %while3A_271 = arith.constant 1 : i32
        scf.for %while3A_275 = %while3A_264 to %while3A_270 step %while3A_271  : i32 {
          %mul3A_276 = arith.constant 512 : i32
          %mul3A_277 = arith.muli %while3A_275, %mul3A_276 : i32
          %add3A_278 = arith.addi %sub3A_230, %mul3A_277 : i32
          %add3A_279 = arith.addi %mul3A_225, %add3A_278 : i32
          %shift_right_logical3A_280 = arith.constant 9 : i32
          %shift_right_logical3A_281 = arith.shrui %add3A_279, %shift_right_logical3A_280 : i32
          %convert_element_type3A_282 = arith.sitofp %shift_right_logical3A_281 : i32 to f32
          %sub3A_283 = arith.subf %convert_element_type3A_282, %squeeze3A_105 : f32
          %mul3A_284 = arith.mulf %sub3A_283, %sub3A_283 : f32
          %shift_right_logical3A_285 = arith.constant 9 : i32
          %shift_right_logical3A_286 = arith.shrui %add3A_278, %shift_right_logical3A_285 : i32
          %parallel_loop3A_287 = arith.constant 0 : i32
          %parallel_loop3A_288 = arith.constant 512 : i32
          %parallel_loop3A_289 = arith.constant 16 : i32
          scf.for %parallel_loop3A_290 = %parallel_loop3A_287 to %parallel_loop3A_288 step %parallel_loop3A_289  : i32 {
            %parallel_loop3A_291 = arith.index_cast %shift_right_logical3A_286 : i32 to index
            %parallel_loop3A_292 = arith.index_cast %parallel_loop3A_290 : i32 to index
            %parallel_loop3A_293 = tpu.vector_load %arg6[%parallel_loop3A_291, %parallel_loop3A_292] {strides = array<i32>} : memref<64x512xf32, #tpu.memory_space<vmem>>, vector<16xf32>,
            %parallel_loop3A_294 = tpu.iota {dimensions = array<i32: 0>} : vector<16xi32>
            %parallel_loop3A_295 = vector.broadcast %parallel_loop3A_290 : i32 to vector<16xi32>
            %parallel_loop3A_296 = arith.addi %parallel_loop3A_294, %parallel_loop3A_295 : vector<16xi32>
            %parallel_loop3A_297 = arith.sitofp %parallel_loop3A_296 : vector<16xi32> to vector<16xf32>
            %parallel_loop3A_298 = vector.broadcast %squeeze3A_103 : f32 to vector<16xf32>
            %parallel_loop3A_299 = arith.subf %parallel_loop3A_297, %parallel_loop3A_298 : vector<16xf32>
            %parallel_loop3A_300 = arith.mulf %parallel_loop3A_299, %parallel_loop3A_299 : vector<16xf32>
            %parallel_loop3A_301 = vector.broadcast %mul3A_284 : f32 to vector<16xf32>
            %parallel_loop3A_302 = arith.addf %parallel_loop3A_300, %parallel_loop3A_301 : vector<16xf32>
            %parallel_loop3A_303 = arith.constant -3.125000e-02 : f32
            %parallel_loop3A_304 = vector.broadcast %parallel_loop3A_303 : f32 to vector<16xf32>
            %parallel_loop3A_305 = arith.mulf %parallel_loop3A_302, %parallel_loop3A_304 : vector<16xf32>
            %parallel_loop3A_306 = math.exp %parallel_loop3A_305 : vector<16xf32>
            %parallel_loop3A_307 = arith.subf %parallel_loop3A_293, %parallel_loop3A_306 : vector<16xf32>
            %parallel_loop3A_308 = arith.mulf %parallel_loop3A_307, %parallel_loop3A_307 : vector<16xf32>
            %parallel_loop3A_309 = tpu.bitcast %parallel_loop3A_308 : vector<16xf32> -> vector<16xi32>
            %parallel_loop3A_310 = arith.constant 17 : i32
            %parallel_loop3A_311 = vector.broadcast %parallel_loop3A_310 : i32 to vector<16xi32>
            %parallel_loop3A_312 = arith.shrui %parallel_loop3A_309, %parallel_loop3A_311 : vector<16xi32>
            tpu.vector_store_idx %arg7[%parallel_loop3A_312], %broadcast_in_dim3A_1 {add = true} : memref<16384xf32, #tpu.memory_space<vmem>>[vector<16xi32>], vector<16xf32>,
          } {sc.loop_unroll_factor = 4 : i64, sc.parallel_access}
        }
        %while3A_272 = arith.constant 1 : i32
        scf.for %while3A_275 = %while3A_270 to %while3A_266 step %while3A_272  : i32 {
          %mul3A_276 = arith.constant 512 : i32
          %mul3A_277 = arith.muli %while3A_275, %mul3A_276 : i32
          %add3A_278 = arith.addi %sub3A_230, %mul3A_277 : i32
          %add3A_279 = arith.addi %mul3A_225, %add3A_278 : i32
          %shift_right_logical3A_280 = arith.constant 9 : i32
          %shift_right_logical3A_281 = arith.shrui %add3A_279, %shift_right_logical3A_280 : i32
          %convert_element_type3A_282 = arith.sitofp %shift_right_logical3A_281 : i32 to f32
          %sub3A_283 = arith.subf %convert_element_type3A_282, %squeeze3A_105 : f32
          %mul3A_284 = arith.mulf %sub3A_283, %sub3A_283 : f32
          %shift_right_logical3A_285 = arith.constant 9 : i32
          %shift_right_logical3A_286 = arith.shrui %add3A_278, %shift_right_logical3A_285 : i32
          %parallel_loop3A_287 = arith.constant 0 : i32
          %parallel_loop3A_288 = arith.constant 512 : i32
          %parallel_loop3A_289 = arith.constant 16 : i32
          scf.for %parallel_loop3A_290 = %parallel_loop3A_287 to %parallel_loop3A_288 step %parallel_loop3A_289  : i32 {
            %parallel_loop3A_291 = arith.index_cast %shift_right_logical3A_286 : i32 to index
            %parallel_loop3A_292 = arith.index_cast %parallel_loop3A_290 : i32 to index
            %parallel_loop3A_293 = tpu.vector_load %arg6[%parallel_loop3A_291, %parallel_loop3A_292] {strides = array<i32>} : memref<64x512xf32, #tpu.memory_space<vmem>>, vector<16xf32>,
            %parallel_loop3A_294 = tpu.iota {dimensions = array<i32: 0>} : vector<16xi32>
            %parallel_loop3A_295 = vector.broadcast %parallel_loop3A_290 : i32 to vector<16xi32>
            %parallel_loop3A_296 = arith.addi %parallel_loop3A_294, %parallel_loop3A_295 : vector<16xi32>
            %parallel_loop3A_297 = arith.sitofp %parallel_loop3A_296 : vector<16xi32> to vector<16xf32>
            %parallel_loop3A_298 = vector.broadcast %squeeze3A_103 : f32 to vector<16xf32>
            %parallel_loop3A_299 = arith.subf %parallel_loop3A_297, %parallel_loop3A_298 : vector<16xf32>
            %parallel_loop3A_300 = arith.mulf %parallel_loop3A_299, %parallel_loop3A_299 : vector<16xf32>
            %parallel_loop3A_301 = vector.broadcast %mul3A_284 : f32 to vector<16xf32>
            %parallel_loop3A_302 = arith.addf %parallel_loop3A_300, %parallel_loop3A_301 : vector<16xf32>
            %parallel_loop3A_303 = arith.constant -3.125000e-02 : f32
            %parallel_loop3A_304 = vector.broadcast %parallel_loop3A_303 : f32 to vector<16xf32>
            %parallel_loop3A_305 = arith.mulf %parallel_loop3A_302, %parallel_loop3A_304 : vector<16xf32>
            %parallel_loop3A_306 = math.exp %parallel_loop3A_305 : vector<16xf32>
            %parallel_loop3A_307 = arith.subf %parallel_loop3A_293, %parallel_loop3A_306 : vector<16xf32>
            %parallel_loop3A_308 = arith.mulf %parallel_loop3A_307, %parallel_loop3A_307 : vector<16xf32>
            %parallel_loop3A_309 = tpu.bitcast %parallel_loop3A_308 : vector<16xf32> -> vector<16xi32>
            %parallel_loop3A_310 = arith.constant 17 : i32
            %parallel_loop3A_311 = vector.broadcast %parallel_loop3A_310 : i32 to vector<16xi32>
            %parallel_loop3A_312 = arith.shrui %parallel_loop3A_309, %parallel_loop3A_311 : vector<16xi32>
            tpu.vector_store_idx %arg7[%parallel_loop3A_312], %broadcast_in_dim3A_1 {add = true} : memref<16384xf32, #tpu.memory_space<vmem>>[vector<16xi32>], vector<16xf32>,
          } {sc.loop_unroll_factor = 4 : i64, sc.parallel_access}
        }
        %parallel_loop3A_273 = arith.constant 32768 : i32
        %parallel_loop3A_274 = arith.constant 16 : i32
        scf.for %parallel_loop3A_275 = %sub3A_235 to %parallel_loop3A_273 step %parallel_loop3A_274  : i32 {
          %parallel_loop3A_276 = arith.constant 9 : i32
          %parallel_loop3A_277 = arith.shrui %parallel_loop3A_275, %parallel_loop3A_276 : i32
          %parallel_loop3A_278 = arith.constant 511 : i32
          %parallel_loop3A_279 = arith.andi %parallel_loop3A_275, %parallel_loop3A_278 : i32
          %parallel_loop3A_280 = arith.index_cast %parallel_loop3A_277 : i32 to index
          %parallel_loop3A_281 = arith.index_cast %parallel_loop3A_279 : i32 to index
          %parallel_loop3A_282 = tpu.vector_load %arg6[%parallel_loop3A_280, %parallel_loop3A_281] {strides = array<i32>} : memref<64x512xf32, #tpu.memory_space<vmem>>, vector<16xf32>,
          %parallel_loop3A_283 = arith.mulf %parallel_loop3A_282, %parallel_loop3A_282 : vector<16xf32>
          %parallel_loop3A_284 = tpu.bitcast %parallel_loop3A_283 : vector<16xf32> -> vector<16xi32>
          %parallel_loop3A_285 = arith.constant 17 : i32
          %parallel_loop3A_286 = vector.broadcast %parallel_loop3A_285 : i32 to vector<16xi32>
          %parallel_loop3A_287 = arith.shrui %parallel_loop3A_284, %parallel_loop3A_286 : vector<16xi32>
          tpu.vector_store_idx %arg7[%parallel_loop3A_287], %broadcast_in_dim3A_1 {add = true} : memref<16384xf32, #tpu.memory_space<vmem>>[vector<16xi32>], vector<16xf32>,
        } {sc.loop_unroll_factor = 8 : i64, sc.parallel_access}
      }
      %scan3A_136 = arith.constant 4 : i32
      "tpu.region"() ({
        %run_scoped3A = tpu.sem_alloc : memref<!tpu.dma_semaphore, #tpu.memory_space<semaphore_mem>>
        %dma_start3A_137 = arith.constant 0 : i32
        %dma_start3A_138 = tpu.memref_slice %arg4[%add3A_94, %dma_start3A_137] : memref<96x16384xf32, #tpu.memory_space<hbm>> -> memref<1x16384xf32, #tpu.memory_space<hbm>>
        %dma_start3A_139 = tpu.memref_squeeze %dma_start3A_138 : memref<1x16384xf32, #tpu.memory_space<hbm>> -> memref<16384xf32, #tpu.memory_space<hbm>>
        %dma_start3A_140 = arith.constant 0 : i32
        %dma_start3A_141 = tpu.memref_slice %arg4[%add3A_94, %dma_start3A_140] : memref<96x16384xf32, #tpu.memory_space<hbm>> -> memref<1x16384xf32, #tpu.memory_space<hbm>>
        %dma_start3A_142 = tpu.memref_squeeze %dma_start3A_141 : memref<1x16384xf32, #tpu.memory_space<hbm>> -> memref<16384xf32, #tpu.memory_space<hbm>>
        tpu.enqueue_dma source(%arg7 : memref<16384xf32, #tpu.memory_space<vmem>>) target(%dma_start3A_142 : memref<16384xf32, #tpu.memory_space<hbm>>) target_semaphore(%run_scoped3A : memref<!tpu.dma_semaphore, #tpu.memory_space<semaphore_mem>>)
        %dma_wait3A_143 = arith.constant 0 : i32
        %dma_wait3A_144 = tpu.memref_slice %arg4[%add3A_94, %dma_wait3A_143] : memref<96x16384xf32, #tpu.memory_space<hbm>> -> memref<1x16384xf32, #tpu.memory_space<hbm>>
        %dma_wait3A_145 = tpu.memref_squeeze %dma_wait3A_144 : memref<1x16384xf32, #tpu.memory_space<hbm>> -> memref<16384xf32, #tpu.memory_space<hbm>>
        %dma_wait3A_146 = arith.constant 0 : i32
        %dma_wait3A_147 = tpu.memref_slice %arg4[%add3A_94, %dma_wait3A_146] : memref<96x16384xf32, #tpu.memory_space<hbm>> -> memref<1x16384xf32, #tpu.memory_space<hbm>>
        %dma_wait3A_148 = tpu.memref_squeeze %dma_wait3A_147 : memref<1x16384xf32, #tpu.memory_space<hbm>> -> memref<16384xf32, #tpu.memory_space<hbm>>
        tpu.wait_dma2 semaphore(%run_scoped3A : memref<!tpu.dma_semaphore, #tpu.memory_space<semaphore_mem>>) src(%arg7 : memref<16384xf32, #tpu.memory_space<vmem>>) dst(%dma_wait3A_148 : memref<16384xf32, #tpu.memory_space<hbm>>)
        tpu.yield
      }) : () -> ()
    }
    %scan3A_6 = arith.constant 2 : i32
    %shift_right_logical3A = arith.constant 3 : i32
    %shift_right_logical3A_7 = arith.shrui %add3A, %shift_right_logical3A : i32
    %add3A_8 = arith.constant 64 : i32
    %add3A_9 = arith.addi %add3A_8, %shift_right_logical3A_7 : i32
    %and3A = arith.constant 7 : i32
    %and3A_10 = arith.andi %add3A, %and3A : i32
    %mul3A_11 = arith.constant 64 : i32
    %mul3A_12 = arith.muli %and3A_10, %mul3A_11 : i32
    %dma_start3A = arith.constant 0 : i32
    %dma_start3A_13 = tpu.memref_slice %arg2[%add3A_9, %mul3A_12, %dma_start3A] : memref<68x512x512xf32, #tpu.memory_space<hbm>> -> memref<1x64x512xf32, #tpu.memory_space<hbm>>
    %dma_start3A_14 = tpu.memref_squeeze %dma_start3A_13 : memref<1x64x512xf32, #tpu.memory_space<hbm>> -> memref<64x512xf32, #tpu.memory_space<hbm>>
    %dma_start3A_15 = arith.constant 0 : i32
    %dma_start3A_16 = tpu.memref_slice %arg2[%add3A_9, %mul3A_12, %dma_start3A_15] : memref<68x512x512xf32, #tpu.memory_space<hbm>> -> memref<1x64x512xf32, #tpu.memory_space<hbm>>
    %dma_start3A_17 = tpu.memref_squeeze %dma_start3A_16 : memref<1x64x512xf32, #tpu.memory_space<hbm>> -> memref<64x512xf32, #tpu.memory_space<hbm>>
    tpu.enqueue_dma source(%dma_start3A_17 : memref<64x512xf32, #tpu.memory_space<hbm>>) target(%arg5 : memref<64x512xf32, #tpu.memory_space<vmem>>) target_semaphore(%arg9 : memref<!tpu.dma_semaphore, #tpu.memory_space<semaphore_mem>>)
    %parallel_loop3A = arith.constant 0 : i32
    %parallel_loop3A_18 = arith.constant 16384 : i32
    %parallel_loop3A_19 = arith.constant 16 : i32
    scf.for %parallel_loop3A_91 = %parallel_loop3A to %parallel_loop3A_18 step %parallel_loop3A_19  : i32 {
      %parallel_loop3A_92 = arith.constant 0.000000e+00 : f32
      %parallel_loop3A_93 = vector.broadcast %parallel_loop3A_92 : f32 to vector<16xf32>
      %parallel_loop3A_94 = arith.index_cast %parallel_loop3A_91 : i32 to index
      %parallel_loop3A_95 = tpu.vector_load %arg7[%parallel_loop3A_94] {strides = array<i32>} : memref<16384xf32, #tpu.memory_space<vmem>>, vector<16xf32>,
      tpu.vector_store %arg7[%parallel_loop3A_94], %parallel_loop3A_93 {strides = array<i32>} : memref<16384xf32, #tpu.memory_space<vmem>>, vector<16xf32>,
    } {sc.loop_unroll_factor = 8 : i64, sc.parallel_access}
    %mul3A_20 = arith.constant 16 : i32
    %mul3A_21 = arith.muli %add3A_9, %mul3A_20 : i32
    %get3A = arith.index_cast %mul3A_21 : i32 to index
    %get3A_22 = tpu.vector_load %arg8[%get3A] {strides = array<i32>} : memref<1088xf32, #tpu.memory_space<vmem>>, vector<16xf32>,
    %slice3A = vector.extract_strided_slice %get3A_22 {offsets = [0], sizes = [1], strides = [1]} : vector<16xf32> to vector<1xf32>
    %squeeze3A = vector.extract %slice3A[0] : f32 from vector<1xf32>
    %slice3A_23 = vector.extract_strided_slice %get3A_22 {offsets = [1], sizes = [1], strides = [1]} : vector<16xf32> to vector<1xf32>
    %squeeze3A_24 = vector.extract %slice3A_23[0] : f32 from vector<1xf32>
    %convert_element_type3A = arith.fptosi %squeeze3A_24 : f32 to i32
    %sub3A = arith.constant 26 : i32
    %sub3A_25 = arith.subi %convert_element_type3A, %sub3A : i32
    %jit3A = arith.constant 0 : i32
    %jit3A_26 = arith.constant 512 : i32
    %max3A = arith.maxsi %jit3A, %sub3A_25 : i32
    %min3A = arith.minsi %jit3A_26, %max3A : i32
    %add3A_27 = arith.constant 27 : i32
    %add3A_28 = arith.addi %convert_element_type3A, %add3A_27 : i32
    %jit3A_29 = arith.constant 0 : i32
    %jit3A_30 = arith.constant 512 : i32
    %max3A_31 = arith.maxsi %jit3A_29, %add3A_28 : i32
    %min3A_32 = arith.minsi %jit3A_30, %max3A_31 : i32
    %mul3A_33 = arith.constant 512 : i32
    %mul3A_34 = arith.muli %min3A, %mul3A_33 : i32
    %mul3A_35 = arith.constant 512 : i32
    %mul3A_36 = arith.muli %min3A_32, %mul3A_35 : i32
    %mul3A_37 = arith.constant 64 : i32
    %mul3A_38 = arith.muli %and3A_10, %mul3A_37 : i32
    %dma_wait3A = arith.constant 0 : i32
    %dma_wait3A_39 = tpu.memref_slice %arg2[%add3A_9, %mul3A_38, %dma_wait3A] : memref<68x512x512xf32, #tpu.memory_space<hbm>> -> memref<1x64x512xf32, #tpu.memory_space<hbm>>
    %dma_wait3A_40 = tpu.memref_squeeze %dma_wait3A_39 : memref<1x64x512xf32, #tpu.memory_space<hbm>> -> memref<64x512xf32, #tpu.memory_space<hbm>>
    %dma_wait3A_41 = arith.constant 0 : i32
    %dma_wait3A_42 = tpu.memref_slice %arg2[%add3A_9, %mul3A_38, %dma_wait3A_41] : memref<68x512x512xf32, #tpu.memory_space<hbm>> -> memref<1x64x512xf32, #tpu.memory_space<hbm>>
    %dma_wait3A_43 = tpu.memref_squeeze %dma_wait3A_42 : memref<1x64x512xf32, #tpu.memory_space<hbm>> -> memref<64x512xf32, #tpu.memory_space<hbm>>
    tpu.wait_dma2 semaphore(%arg9 : memref<!tpu.dma_semaphore, #tpu.memory_space<semaphore_mem>>) src(%dma_wait3A_43 : memref<64x512xf32, #tpu.memory_space<hbm>>) dst(%arg5 : memref<64x512xf32, #tpu.memory_space<vmem>>)
    %mul3A_44 = arith.constant 32768 : i32
    %mul3A_45 = arith.muli %and3A_10, %mul3A_44 : i32
    %add3A_46 = arith.constant 32768 : i32
    %add3A_47 = arith.addi %mul3A_45, %add3A_46 : i32
    %max3A_48 = arith.maxsi %mul3A_45, %mul3A_34 : i32
    %min3A_49 = arith.minsi %add3A_47, %max3A_48 : i32
    %sub3A_50 = arith.subi %min3A_49, %mul3A_45 : i32
    %add3A_51 = arith.constant 32768 : i32
    %add3A_52 = arith.addi %mul3A_45, %add3A_51 : i32
    %max3A_53 = arith.maxsi %mul3A_45, %mul3A_36 : i32
    %min3A_54 = arith.minsi %add3A_52, %max3A_53 : i32
    %sub3A_55 = arith.subi %min3A_54, %mul3A_45 : i32
    %parallel_loop3A_56 = arith.constant 0 : i32
    %parallel_loop3A_57 = arith.constant 16 : i32
    scf.for %parallel_loop3A_91 = %parallel_loop3A_56 to %sub3A_50 step %parallel_loop3A_57  : i32 {
      %parallel_loop3A_92 = arith.constant 9 : i32
      %parallel_loop3A_93 = arith.shrui %parallel_loop3A_91, %parallel_loop3A_92 : i32
      %parallel_loop3A_94 = arith.constant 511 : i32
      %parallel_loop3A_95 = arith.andi %parallel_loop3A_91, %parallel_loop3A_94 : i32
      %parallel_loop3A_96 = arith.index_cast %parallel_loop3A_93 : i32 to index
      %parallel_loop3A_97 = arith.index_cast %parallel_loop3A_95 : i32 to index
      %parallel_loop3A_98 = tpu.vector_load %arg5[%parallel_loop3A_96, %parallel_loop3A_97] {strides = array<i32>} : memref<64x512xf32, #tpu.memory_space<vmem>>, vector<16xf32>,
      %parallel_loop3A_99 = arith.mulf %parallel_loop3A_98, %parallel_loop3A_98 : vector<16xf32>
      %parallel_loop3A_100 = tpu.bitcast %parallel_loop3A_99 : vector<16xf32> -> vector<16xi32>
      %parallel_loop3A_101 = arith.constant 17 : i32
      %parallel_loop3A_102 = vector.broadcast %parallel_loop3A_101 : i32 to vector<16xi32>
      %parallel_loop3A_103 = arith.shrui %parallel_loop3A_100, %parallel_loop3A_102 : vector<16xi32>
      tpu.vector_store_idx %arg7[%parallel_loop3A_103], %broadcast_in_dim3A_1 {add = true} : memref<16384xf32, #tpu.memory_space<vmem>>[vector<16xi32>], vector<16xf32>,
    } {sc.loop_unroll_factor = 8 : i64, sc.parallel_access}
    %sub3A_58 = arith.subi %sub3A_55, %sub3A_50 : i32
    %jit3A_59 = arith.constant 512 : i32
    %div3A = arith.divsi %sub3A_58, %jit3A_59 : i32
    %sign3A = arith.constant 0 : i32
    %sign3A_60 = arith.cmpi sgt, %sub3A_58, %sign3A : i32
    %sign3A_61 = arith.extui %sign3A_60 : i1 to i32
    %sign3A_62 = arith.constant 0 : i32
    %sign3A_63 = arith.cmpi slt, %sub3A_58, %sign3A_62 : i32
    %sign3A_64 = arith.extui %sign3A_63 : i1 to i32
    %sign3A_65 = arith.subi %sign3A_61, %sign3A_64 : i32
    %sign3A_66 = arith.constant 0 : i32
    %sign3A_67 = arith.cmpi sgt, %jit3A_59, %sign3A_66 : i32
    %sign3A_68 = arith.extui %sign3A_67 : i1 to i32
    %sign3A_69 = arith.constant 0 : i32
    %sign3A_70 = arith.cmpi slt, %jit3A_59, %sign3A_69 : i32
    %sign3A_71 = arith.extui %sign3A_70 : i1 to i32
    %sign3A_72 = arith.subi %sign3A_68, %sign3A_71 : i32
    %ne3A = arith.cmpi ne, %sign3A_65, %sign3A_72 : i32
    %rem3A = arith.remsi %sub3A_58, %jit3A_59 : i32
    %ne3A_73 = arith.constant 0 : i32
    %ne3A_74 = arith.cmpi ne, %rem3A, %ne3A_73 : i32
    %and3A_75 = arith.andi %ne3A, %ne3A_74 : i1
    %sub3A_76 = arith.constant 1 : i32
    %sub3A_77 = arith.subi %div3A, %sub3A_76 : i32
    %select_n3A = arith.select %and3A_75, %sub3A_77, %div3A : i32
    %while3A = arith.constant 0 : i32
    %while3A_78 = arith.constant 0 : i32
    %while3A_79 = arith.subi %select_n3A, %while3A_78 : i32
    %while3A_80 = arith.addi %while3A_78, %while3A_79 : i32
    %while3A_81 = arith.constant 1 : i32
    %while3A_82 = arith.divsi %while3A_79, %while3A_81 : i32
    %while3A_83 = arith.muli %while3A_82, %while3A_81 : i32
    %while3A_84 = arith.addi %while3A_78, %while3A_83 : i32
    %while3A_85 = arith.constant 1 : i32
    scf.for %while3A_91 = %while3A_78 to %while3A_84 step %while3A_85  : i32 {
      %mul3A_92 = arith.constant 512 : i32
      %mul3A_93 = arith.muli %while3A_91, %mul3A_92 : i32
      %add3A_94 = arith.addi %sub3A_50, %mul3A_93 : i32
      %add3A_95 = arith.addi %mul3A_45, %add3A_94 : i32
      %shift_right_logical3A_96 = arith.constant 9 : i32
      %shift_right_logical3A_97 = arith.shrui %add3A_95, %shift_right_logical3A_96 : i32
      %convert_element_type3A_98 = arith.sitofp %shift_right_logical3A_97 : i32 to f32
      %sub3A_99 = arith.subf %convert_element_type3A_98, %squeeze3A_24 : f32
      %mul3A_100 = arith.mulf %sub3A_99, %sub3A_99 : f32
      %shift_right_logical3A_101 = arith.constant 9 : i32
      %shift_right_logical3A_102 = arith.shrui %add3A_94, %shift_right_logical3A_101 : i32
      %parallel_loop3A_103 = arith.constant 0 : i32
      %parallel_loop3A_104 = arith.constant 512 : i32
      %parallel_loop3A_105 = arith.constant 16 : i32
      scf.for %parallel_loop3A_106 = %parallel_loop3A_103 to %parallel_loop3A_104 step %parallel_loop3A_105  : i32 {
        %parallel_loop3A_107 = arith.index_cast %shift_right_logical3A_102 : i32 to index
        %parallel_loop3A_108 = arith.index_cast %parallel_loop3A_106 : i32 to index
        %parallel_loop3A_109 = tpu.vector_load %arg5[%parallel_loop3A_107, %parallel_loop3A_108] {strides = array<i32>} : memref<64x512xf32, #tpu.memory_space<vmem>>, vector<16xf32>,
        %parallel_loop3A_110 = tpu.iota {dimensions = array<i32: 0>} : vector<16xi32>
        %parallel_loop3A_111 = vector.broadcast %parallel_loop3A_106 : i32 to vector<16xi32>
        %parallel_loop3A_112 = arith.addi %parallel_loop3A_110, %parallel_loop3A_111 : vector<16xi32>
        %parallel_loop3A_113 = arith.sitofp %parallel_loop3A_112 : vector<16xi32> to vector<16xf32>
        %parallel_loop3A_114 = vector.broadcast %squeeze3A : f32 to vector<16xf32>
        %parallel_loop3A_115 = arith.subf %parallel_loop3A_113, %parallel_loop3A_114 : vector<16xf32>
        %parallel_loop3A_116 = arith.mulf %parallel_loop3A_115, %parallel_loop3A_115 : vector<16xf32>
        %parallel_loop3A_117 = vector.broadcast %mul3A_100 : f32 to vector<16xf32>
        %parallel_loop3A_118 = arith.addf %parallel_loop3A_116, %parallel_loop3A_117 : vector<16xf32>
        %parallel_loop3A_119 = arith.constant -3.125000e-02 : f32
        %parallel_loop3A_120 = vector.broadcast %parallel_loop3A_119 : f32 to vector<16xf32>
        %parallel_loop3A_121 = arith.mulf %parallel_loop3A_118, %parallel_loop3A_120 : vector<16xf32>
        %parallel_loop3A_122 = math.exp %parallel_loop3A_121 : vector<16xf32>
        %parallel_loop3A_123 = arith.subf %parallel_loop3A_109, %parallel_loop3A_122 : vector<16xf32>
        %parallel_loop3A_124 = arith.mulf %parallel_loop3A_123, %parallel_loop3A_123 : vector<16xf32>
        %parallel_loop3A_125 = tpu.bitcast %parallel_loop3A_124 : vector<16xf32> -> vector<16xi32>
        %parallel_loop3A_126 = arith.constant 17 : i32
        %parallel_loop3A_127 = vector.broadcast %parallel_loop3A_126 : i32 to vector<16xi32>
        %parallel_loop3A_128 = arith.shrui %parallel_loop3A_125, %parallel_loop3A_127 : vector<16xi32>
        tpu.vector_store_idx %arg7[%parallel_loop3A_128], %broadcast_in_dim3A_1 {add = true} : memref<16384xf32, #tpu.memory_space<vmem>>[vector<16xi32>], vector<16xf32>,
      } {sc.loop_unroll_factor = 4 : i64, sc.parallel_access}
    }
    %while3A_86 = arith.constant 1 : i32
    scf.for %while3A_91 = %while3A_84 to %while3A_80 step %while3A_86  : i32 {
      %mul3A_92 = arith.constant 512 : i32
      %mul3A_93 = arith.muli %while3A_91, %mul3A_92 : i32
      %add3A_94 = arith.addi %sub3A_50, %mul3A_93 : i32
      %add3A_95 = arith.addi %mul3A_45, %add3A_94 : i32
      %shift_right_logical3A_96 = arith.constant 9 : i32
      %shift_right_logical3A_97 = arith.shrui %add3A_95, %shift_right_logical3A_96 : i32
      %convert_element_type3A_98 = arith.sitofp %shift_right_logical3A_97 : i32 to f32
      %sub3A_99 = arith.subf %convert_element_type3A_98, %squeeze3A_24 : f32
      %mul3A_100 = arith.mulf %sub3A_99, %sub3A_99 : f32
      %shift_right_logical3A_101 = arith.constant 9 : i32
      %shift_right_logical3A_102 = arith.shrui %add3A_94, %shift_right_logical3A_101 : i32
      %parallel_loop3A_103 = arith.constant 0 : i32
      %parallel_loop3A_104 = arith.constant 512 : i32
      %parallel_loop3A_105 = arith.constant 16 : i32
      scf.for %parallel_loop3A_106 = %parallel_loop3A_103 to %parallel_loop3A_104 step %parallel_loop3A_105  : i32 {
        %parallel_loop3A_107 = arith.index_cast %shift_right_logical3A_102 : i32 to index
        %parallel_loop3A_108 = arith.index_cast %parallel_loop3A_106 : i32 to index
        %parallel_loop3A_109 = tpu.vector_load %arg5[%parallel_loop3A_107, %parallel_loop3A_108] {strides = array<i32>} : memref<64x512xf32, #tpu.memory_space<vmem>>, vector<16xf32>,
        %parallel_loop3A_110 = tpu.iota {dimensions = array<i32: 0>} : vector<16xi32>
        %parallel_loop3A_111 = vector.broadcast %parallel_loop3A_106 : i32 to vector<16xi32>
        %parallel_loop3A_112 = arith.addi %parallel_loop3A_110, %parallel_loop3A_111 : vector<16xi32>
        %parallel_loop3A_113 = arith.sitofp %parallel_loop3A_112 : vector<16xi32> to vector<16xf32>
        %parallel_loop3A_114 = vector.broadcast %squeeze3A : f32 to vector<16xf32>
        %parallel_loop3A_115 = arith.subf %parallel_loop3A_113, %parallel_loop3A_114 : vector<16xf32>
        %parallel_loop3A_116 = arith.mulf %parallel_loop3A_115, %parallel_loop3A_115 : vector<16xf32>
        %parallel_loop3A_117 = vector.broadcast %mul3A_100 : f32 to vector<16xf32>
        %parallel_loop3A_118 = arith.addf %parallel_loop3A_116, %parallel_loop3A_117 : vector<16xf32>
        %parallel_loop3A_119 = arith.constant -3.125000e-02 : f32
        %parallel_loop3A_120 = vector.broadcast %parallel_loop3A_119 : f32 to vector<16xf32>
        %parallel_loop3A_121 = arith.mulf %parallel_loop3A_118, %parallel_loop3A_120 : vector<16xf32>
        %parallel_loop3A_122 = math.exp %parallel_loop3A_121 : vector<16xf32>
        %parallel_loop3A_123 = arith.subf %parallel_loop3A_109, %parallel_loop3A_122 : vector<16xf32>
        %parallel_loop3A_124 = arith.mulf %parallel_loop3A_123, %parallel_loop3A_123 : vector<16xf32>
        %parallel_loop3A_125 = tpu.bitcast %parallel_loop3A_124 : vector<16xf32> -> vector<16xi32>
        %parallel_loop3A_126 = arith.constant 17 : i32
        %parallel_loop3A_127 = vector.broadcast %parallel_loop3A_126 : i32 to vector<16xi32>
        %parallel_loop3A_128 = arith.shrui %parallel_loop3A_125, %parallel_loop3A_127 : vector<16xi32>
        tpu.vector_store_idx %arg7[%parallel_loop3A_128], %broadcast_in_dim3A_1 {add = true} : memref<16384xf32, #tpu.memory_space<vmem>>[vector<16xi32>], vector<16xf32>,
      } {sc.loop_unroll_factor = 4 : i64, sc.parallel_access}
    }
    %parallel_loop3A_87 = arith.constant 32768 : i32
    %parallel_loop3A_88 = arith.constant 16 : i32
    scf.for %parallel_loop3A_91 = %sub3A_55 to %parallel_loop3A_87 step %parallel_loop3A_88  : i32 {
      %parallel_loop3A_92 = arith.constant 9 : i32
      %parallel_loop3A_93 = arith.shrui %parallel_loop3A_91, %parallel_loop3A_92 : i32
      %parallel_loop3A_94 = arith.constant 511 : i32
      %parallel_loop3A_95 = arith.andi %parallel_loop3A_91, %parallel_loop3A_94 : i32
      %parallel_loop3A_96 = arith.index_cast %parallel_loop3A_93 : i32 to index
      %parallel_loop3A_97 = arith.index_cast %parallel_loop3A_95 : i32 to index
      %parallel_loop3A_98 = tpu.vector_load %arg5[%parallel_loop3A_96, %parallel_loop3A_97] {strides = array<i32>} : memref<64x512xf32, #tpu.memory_space<vmem>>, vector<16xf32>,
      %parallel_loop3A_99 = arith.mulf %parallel_loop3A_98, %parallel_loop3A_98 : vector<16xf32>
      %parallel_loop3A_100 = tpu.bitcast %parallel_loop3A_99 : vector<16xf32> -> vector<16xi32>
      %parallel_loop3A_101 = arith.constant 17 : i32
      %parallel_loop3A_102 = vector.broadcast %parallel_loop3A_101 : i32 to vector<16xi32>
      %parallel_loop3A_103 = arith.shrui %parallel_loop3A_100, %parallel_loop3A_102 : vector<16xi32>
      tpu.vector_store_idx %arg7[%parallel_loop3A_103], %broadcast_in_dim3A_1 {add = true} : memref<16384xf32, #tpu.memory_space<vmem>>[vector<16xi32>], vector<16xf32>,
    } {sc.loop_unroll_factor = 8 : i64, sc.parallel_access}
    %add3A_89 = arith.constant 64 : i32
    %add3A_90 = arith.addi %add3A_89, %add3A : i32
    "tpu.region"() ({
      %run_scoped3A = tpu.sem_alloc : memref<!tpu.dma_semaphore, #tpu.memory_space<semaphore_mem>>
      %dma_start3A_91 = arith.constant 0 : i32
      %dma_start3A_92 = tpu.memref_slice %arg4[%add3A_90, %dma_start3A_91] : memref<96x16384xf32, #tpu.memory_space<hbm>> -> memref<1x16384xf32, #tpu.memory_space<hbm>>
      %dma_start3A_93 = tpu.memref_squeeze %dma_start3A_92 : memref<1x16384xf32, #tpu.memory_space<hbm>> -> memref<16384xf32, #tpu.memory_space<hbm>>
      %dma_start3A_94 = arith.constant 0 : i32
      %dma_start3A_95 = tpu.memref_slice %arg4[%add3A_90, %dma_start3A_94] : memref<96x16384xf32, #tpu.memory_space<hbm>> -> memref<1x16384xf32, #tpu.memory_space<hbm>>
      %dma_start3A_96 = tpu.memref_squeeze %dma_start3A_95 : memref<1x16384xf32, #tpu.memory_space<hbm>> -> memref<16384xf32, #tpu.memory_space<hbm>>
      tpu.enqueue_dma source(%arg7 : memref<16384xf32, #tpu.memory_space<vmem>>) target(%dma_start3A_96 : memref<16384xf32, #tpu.memory_space<hbm>>) target_semaphore(%run_scoped3A : memref<!tpu.dma_semaphore, #tpu.memory_space<semaphore_mem>>)
      %dma_wait3A_97 = arith.constant 0 : i32
      %dma_wait3A_98 = tpu.memref_slice %arg4[%add3A_90, %dma_wait3A_97] : memref<96x16384xf32, #tpu.memory_space<hbm>> -> memref<1x16384xf32, #tpu.memory_space<hbm>>
      %dma_wait3A_99 = tpu.memref_squeeze %dma_wait3A_98 : memref<1x16384xf32, #tpu.memory_space<hbm>> -> memref<16384xf32, #tpu.memory_space<hbm>>
      %dma_wait3A_100 = arith.constant 0 : i32
      %dma_wait3A_101 = tpu.memref_slice %arg4[%add3A_90, %dma_wait3A_100] : memref<96x16384xf32, #tpu.memory_space<hbm>> -> memref<1x16384xf32, #tpu.memory_space<hbm>>
      %dma_wait3A_102 = tpu.memref_squeeze %dma_wait3A_101 : memref<1x16384xf32, #tpu.memory_space<hbm>> -> memref<16384xf32, #tpu.memory_space<hbm>>
      tpu.wait_dma2 semaphore(%run_scoped3A : memref<!tpu.dma_semaphore, #tpu.memory_space<semaphore_mem>>) src(%arg7 : memref<16384xf32, #tpu.memory_space<vmem>>) dst(%dma_wait3A_102 : memref<16384xf32, #tpu.memory_space<hbm>>)
      tpu.yield
    }) : () -> ()
    return
  }
}

module attributes {stable_mosaic.version = 14 : i64} {
  func.func @_select_body(%arg0: memref<96x128x128xf32, #tpu.memory_space<vmem>>, %arg1: memref<1x1xf32, #tpu.memory_space<vmem>>) attributes {dimension_semantics = [], scalar_prefetch = 0 : i64, scratch_operands = 0 : i64, tpu.core_type = #tpu.core_type<tc>} {
    %get3A = arith.constant 0 : index
    %get3A_0 = arith.constant 0 : index
    %get3A_1 = arith.constant 0 : index
    %get3A_2 = vector.load %arg0[%get3A, %get3A_0, %get3A_1] : memref<96x128x128xf32, #tpu.memory_space<vmem>>, vector<96x128x128xf32>
    %slice3A = vector.extract_strided_slice %get3A_2 {offsets = [0, 0, 0], sizes = [64, 128, 128], strides = [1, 1, 1]} : vector<96x128x128xf32> to vector<64x128x128xf32>
    %slice3A_3 = vector.extract_strided_slice %get3A_2 {offsets = [64, 0, 0], sizes = [32, 128, 128], strides = [1, 1, 1]} : vector<96x128x128xf32> to vector<32x128x128xf32>
    %reshape3A = vector.shape_cast %slice3A_3 : vector<32x128x128xf32> to vector<4x8x128x128xf32>
    %reduce_sum3A = arith.constant dense<0.000000e+00> : vector<4x128x128xf32>
    %reduce_sum3A_4 = vector.multi_reduction <add>, %reshape3A, %reduce_sum3A [1] : vector<4x8x128x128xf32> to vector<4x128x128xf32>
    %concatenate3A = tpu.concatenate %slice3A, %reduce_sum3A_4 in 0 : vector<64x128x128xf32>, vector<4x128x128xf32> -> vector<68x128x128xf32>
    %iota3A = tpu.iota {dimensions = array<i32: 1>} : vector<68x128x128xi32>
    %mul3A = arith.constant 128 : i32
    %mul3A_5 = vector.broadcast %mul3A : i32 to vector<68x128x128xi32>
    %mul3A_6 = arith.muli %iota3A, %mul3A_5 : vector<68x128x128xi32>
    %iota3A_7 = tpu.iota {dimensions = array<i32: 2>} : vector<68x128x128xi32>
    %add3A = arith.addi %mul3A_6, %iota3A_7 : vector<68x128x128xi32>
    %shift_left3A = arith.constant 17 : i32
    %shift_left3A_8 = vector.broadcast %shift_left3A : i32 to vector<68x128x128xi32>
    %shift_left3A_9 = arith.shli %add3A, %shift_left3A_8 : vector<68x128x128xi32>
    %add3A_10 = arith.constant 65536 : i32
    %add3A_11 = vector.broadcast %add3A_10 : i32 to vector<68x128x128xi32>
    %add3A_12 = arith.addi %shift_left3A_9, %add3A_11 : vector<68x128x128xi32>
    %bitcast_convert_type3A = tpu.bitcast %add3A_12 : vector<68x128x128xi32> -> vector<68x128x128xf32>
    %ge3A = arith.constant 16320 : i32
    %ge3A_13 = vector.broadcast %ge3A : i32 to vector<68x128x128xi32>
    %ge3A_14 = arith.cmpi sge, %add3A, %ge3A_13 : vector<68x128x128xi32>
    %jit3A = arith.constant 0.000000e+00 : f32
    %broadcast_in_dim3A = vector.broadcast %jit3A : f32 to vector<68x128x128xf32>
    %select_n3A = arith.select %ge3A_14, %broadcast_in_dim3A, %bitcast_convert_type3A : vector<68x128x128xi1>, vector<68x128x128xf32>
    %mul3A_15 = arith.mulf %concatenate3A, %select_n3A : vector<68x128x128xf32>
    %iota3A_16 = tpu.iota {dimensions = array<i32: 0>} : vector<128x128xi32>
    %iota3A_17 = tpu.iota {dimensions = array<i32: 1>} : vector<128x128xi32>
    %le3A = arith.cmpi sle, %iota3A_16, %iota3A_17 : vector<128x128xi32>
    %convert_element_type3A = arith.extui %le3A : vector<128x128xi1> to vector<128x128xi32>
    %convert_element_type3A_18 = arith.sitofp %convert_element_type3A : vector<128x128xi32> to vector<128x128xf32>
    %lt3A = arith.cmpi slt, %iota3A_16, %iota3A_17 : vector<128x128xi32>
    %convert_element_type3A_19 = arith.extui %lt3A : vector<128x128xi1> to vector<128x128xi32>
    %convert_element_type3A_20 = arith.sitofp %convert_element_type3A_19 : vector<128x128xi32> to vector<128x128xf32>
    %dot_general3A = arith.constant dense<0.000000e+00> : vector<68x128x128xf32>
    %dot_general3A_21 = tpu.matmul %concatenate3A, %convert_element_type3A_18, %dot_general3A {dimension_numbers = #tpu.dot_dimension_numbers<[2], [0], [0, 1], [1], [0, 0, 0, 1, 1, 1], [], []>, transpose_lhs_hint = false} : vector<68x128x128xf32>, vector<128x128xf32>, vector<68x128x128xf32> -> vector<68x128x128xf32>
    %dot_general3A_22 = arith.constant dense<0.000000e+00> : vector<68x128x128xf32>
    %dot_general3A_23 = tpu.matmul %mul3A_15, %convert_element_type3A_18, %dot_general3A_22 {dimension_numbers = #tpu.dot_dimension_numbers<[2], [0], [0, 1], [1], [0, 0, 0, 1, 1, 1], [], []>, transpose_lhs_hint = false} : vector<68x128x128xf32>, vector<128x128xf32>, vector<68x128x128xf32> -> vector<68x128x128xf32>
    %reduce_sum3A_24 = arith.constant dense<0.000000e+00> : vector<68x128xf32>
    %reduce_sum3A_25 = vector.multi_reduction <add>, %concatenate3A, %reduce_sum3A_24 [2] : vector<68x128x128xf32> to vector<68x128xf32>
    %reduce_sum3A_26 = arith.constant dense<0.000000e+00> : vector<68x128xf32>
    %reduce_sum3A_27 = vector.multi_reduction <add>, %mul3A_15, %reduce_sum3A_26 [2] : vector<68x128x128xf32> to vector<68x128xf32>
    %dot_general3A_28 = arith.constant dense<0.000000e+00> : vector<68x128xf32>
    %dot_general3A_29 = tpu.matmul %reduce_sum3A_25, %convert_element_type3A_20, %dot_general3A_28 {dimension_numbers = #tpu.dot_dimension_numbers<[1], [0], [0], [1], [0, 0, 1, 1], [], []>, transpose_lhs_hint = false} : vector<68x128xf32>, vector<128x128xf32>, vector<68x128xf32> -> vector<68x128xf32>
    %dot_general3A_30 = arith.constant dense<0.000000e+00> : vector<68x128xf32>
    %dot_general3A_31 = tpu.matmul %reduce_sum3A_27, %convert_element_type3A_20, %dot_general3A_30 {dimension_numbers = #tpu.dot_dimension_numbers<[1], [0], [0], [1], [0, 0, 1, 1], [], []>, transpose_lhs_hint = false} : vector<68x128xf32>, vector<128x128xf32>, vector<68x128xf32> -> vector<68x128xf32>
    %broadcast_in_dim3A_32 = vector.shape_cast %dot_general3A_29 : vector<68x128xf32> to vector<68x128x1xf32>
    %add3A_33 = vector.broadcast %broadcast_in_dim3A_32 : vector<68x128x1xf32> to vector<68x128x128xf32>
    %add3A_34 = arith.addf %add3A_33, %dot_general3A_21 : vector<68x128x128xf32>
    %broadcast_in_dim3A_35 = vector.shape_cast %dot_general3A_31 : vector<68x128xf32> to vector<68x128x1xf32>
    %add3A_36 = vector.broadcast %broadcast_in_dim3A_35 : vector<68x128x1xf32> to vector<68x128x128xf32>
    %add3A_37 = arith.addf %add3A_36, %dot_general3A_23 : vector<68x128x128xf32>
    %convert_element_type3A_38 = arith.sitofp %add3A : vector<68x128x128xi32> to vector<68x128x128xf32>
    %gt3A = arith.constant 2.097160e+05 : f32
    %gt3A_39 = vector.broadcast %gt3A : f32 to vector<68x128x128xf32>
    %gt3A_40 = arith.cmpf ogt, %add3A_34, %gt3A_39 : vector<68x128x128xf32>
    %jit3A_41 = arith.constant 3.000000e+07 : f32
    %broadcast_in_dim3A_42 = vector.broadcast %jit3A_41 : f32 to vector<68x128x128xf32>
    %select_n3A_43 = arith.select %gt3A_40, %convert_element_type3A_38, %broadcast_in_dim3A_42 : vector<68x128x128xi1>, vector<68x128x128xf32>
    %reduce_min3A = arith.constant dense<0x7F800000> : vector<68x128xf32>
    %reduce_min3A_44 = vector.multi_reduction <minimumf>, %select_n3A_43, %reduce_min3A [2] : vector<68x128x128xf32> to vector<68x128xf32>
    %reduce_min3A_45 = arith.constant dense<0x7F800000> : vector<68xf32>
    %reduce_min3A_46 = vector.multi_reduction <minimumf>, %reduce_min3A_44, %reduce_min3A_45 [1] : vector<68x128xf32> to vector<68xf32>
    %broadcast_in_dim3A_47 = vector.shape_cast %reduce_min3A_46 : vector<68xf32> to vector<68x1xf32>
    %broadcast_in_dim3A_48 = vector.shape_cast %broadcast_in_dim3A_47 : vector<68x1xf32> to vector<68x1x1xf32>
    %eq3A = vector.broadcast %broadcast_in_dim3A_48 : vector<68x1x1xf32> to vector<68x128x128xf32>
    %eq3A_49 = arith.cmpf oeq, %convert_element_type3A_38, %eq3A : vector<68x128x128xf32>
    %convert_element_type3A_50 = arith.extui %eq3A_49 : vector<68x128x128xi1> to vector<68x128x128xi32>
    %convert_element_type3A_51 = arith.sitofp %convert_element_type3A_50 : vector<68x128x128xi32> to vector<68x128x128xf32>
    %mul3A_52 = arith.mulf %convert_element_type3A_51, %add3A_34 : vector<68x128x128xf32>
    %reduce_sum3A_53 = arith.constant dense<0.000000e+00> : vector<68x128xf32>
    %reduce_sum3A_54 = vector.multi_reduction <add>, %mul3A_52, %reduce_sum3A_53 [2] : vector<68x128x128xf32> to vector<68x128xf32>
    %reduce_sum3A_55 = arith.constant dense<0.000000e+00> : vector<68xf32>
    %reduce_sum3A_56 = vector.multi_reduction <add>, %reduce_sum3A_54, %reduce_sum3A_55 [1] : vector<68x128xf32> to vector<68xf32>
    %broadcast_in_dim3A_57 = vector.shape_cast %reduce_sum3A_56 : vector<68xf32> to vector<68x1xf32>
    %mul3A_58 = arith.mulf %convert_element_type3A_51, %add3A_37 : vector<68x128x128xf32>
    %reduce_sum3A_59 = arith.constant dense<0.000000e+00> : vector<68x128xf32>
    %reduce_sum3A_60 = vector.multi_reduction <add>, %mul3A_58, %reduce_sum3A_59 [2] : vector<68x128x128xf32> to vector<68x128xf32>
    %reduce_sum3A_61 = arith.constant dense<0.000000e+00> : vector<68xf32>
    %reduce_sum3A_62 = vector.multi_reduction <add>, %reduce_sum3A_60, %reduce_sum3A_61 [1] : vector<68x128xf32> to vector<68xf32>
    %broadcast_in_dim3A_63 = vector.shape_cast %reduce_sum3A_62 : vector<68xf32> to vector<68x1xf32>
    %mul3A_64 = arith.mulf %convert_element_type3A_51, %concatenate3A : vector<68x128x128xf32>
    %reduce_sum3A_65 = arith.constant dense<0.000000e+00> : vector<68x128xf32>
    %reduce_sum3A_66 = vector.multi_reduction <add>, %mul3A_64, %reduce_sum3A_65 [2] : vector<68x128x128xf32> to vector<68x128xf32>
    %reduce_sum3A_67 = arith.constant dense<0.000000e+00> : vector<68xf32>
    %reduce_sum3A_68 = vector.multi_reduction <add>, %reduce_sum3A_66, %reduce_sum3A_67 [1] : vector<68x128xf32> to vector<68xf32>
    %broadcast_in_dim3A_69 = vector.shape_cast %reduce_sum3A_68 : vector<68xf32> to vector<68x1xf32>
    %mul3A_70 = arith.mulf %convert_element_type3A_51, %mul3A_15 : vector<68x128x128xf32>
    %reduce_sum3A_71 = arith.constant dense<0.000000e+00> : vector<68x128xf32>
    %reduce_sum3A_72 = vector.multi_reduction <add>, %mul3A_70, %reduce_sum3A_71 [2] : vector<68x128x128xf32> to vector<68x128xf32>
    %reduce_sum3A_73 = arith.constant dense<0.000000e+00> : vector<68xf32>
    %reduce_sum3A_74 = vector.multi_reduction <add>, %reduce_sum3A_72, %reduce_sum3A_73 [1] : vector<68x128xf32> to vector<68xf32>
    %broadcast_in_dim3A_75 = vector.shape_cast %reduce_sum3A_74 : vector<68xf32> to vector<68x1xf32>
    %reduce_sum3A_76 = arith.constant dense<0.000000e+00> : vector<68x128xf32>
    %reduce_sum3A_77 = vector.multi_reduction <add>, %mul3A_15, %reduce_sum3A_76 [2] : vector<68x128x128xf32> to vector<68x128xf32>
    %reduce_sum3A_78 = arith.constant dense<0.000000e+00> : vector<68xf32>
    %reduce_sum3A_79 = vector.multi_reduction <add>, %reduce_sum3A_77, %reduce_sum3A_78 [1] : vector<68x128xf32> to vector<68xf32>
    %broadcast_in_dim3A_80 = vector.shape_cast %reduce_sum3A_79 : vector<68xf32> to vector<68x1xf32>
    %add3A_81 = arith.constant -2.097160e+05 : f32
    %add3A_82 = vector.broadcast %add3A_81 : f32 to vector<68x1xf32>
    %add3A_83 = arith.addf %add3A_82, %broadcast_in_dim3A_57 : vector<68x1xf32>
    %max3A = arith.constant 1.000000e+00 : f32
    %max3A_84 = vector.broadcast %max3A : f32 to vector<68x1xf32>
    %max3A_85 = arith.maximumf %broadcast_in_dim3A_69, %max3A_84 : vector<68x1xf32>
    %div3A = arith.divf %broadcast_in_dim3A_75, %max3A_85 : vector<68x1xf32>
    %sub3A = arith.subf %broadcast_in_dim3A_80, %broadcast_in_dim3A_63 : vector<68x1xf32>
    %mul3A_86 = arith.mulf %add3A_83, %div3A : vector<68x1xf32>
    %add3A_87 = arith.addf %sub3A, %mul3A_86 : vector<68x1xf32>
    %reduce_sum3A_88 = vector.shape_cast %add3A_87 : vector<68x1xf32> to vector<1x68x1xf32>
    %reduce_sum3A_89 = arith.constant dense<0.000000e+00> : vector<1xf32>
    %reduce_sum3A_90 = vector.multi_reduction <add>, %reduce_sum3A_88, %reduce_sum3A_89 [1, 2] : vector<1x68x1xf32> to vector<1xf32>
    %reduce_sum3A_91 = vector.shape_cast %reduce_sum3A_90 : vector<1xf32> to vector<1x1x1xf32>
    %reduce_sum3A_92 = vector.extract %reduce_sum3A_91[0, 0, 0] : f32 from vector<1x1x1xf32>
    %div3A_93 = arith.constant 0x4A5998C0 : f32
    %div3A_94 = arith.divf %reduce_sum3A_92, %div3A_93 : f32
    %broadcast_in_dim3A_95 = vector.broadcast %div3A_94 : f32 to vector<1x1xf32>
    %swap3A = arith.constant 0 : index
    %swap3A_96 = arith.constant 0 : index
    %swap3A_97 = vector.load %arg1[%swap3A, %swap3A_96] : memref<1x1xf32, #tpu.memory_space<vmem>>, vector<1x1xf32>
    tpu.vector_store %arg1[%swap3A, %swap3A_96], %broadcast_in_dim3A_95 {strides = array<i32>} : memref<1x1xf32, #tpu.memory_space<vmem>>, vector<1x1xf32>,
    return
  }
}

</mosaic_0001>

<sc_bundles>
// kernel: kernel.4.cloned.1.call-start
scs
__scs_entry_jumppad:
0x0: {  	(pc) =	sbr.rel $0x88, $3  }
0x1: {  	(tag) =	ssettag $0x0;
	lr =	simm.s32 $0x1  }
0x2: {  	[smem:$0x3F9F] =	sst lr;
	_ =	strace $0xD0000000  }
0x3: {  	_ = 	snop  }
0x4: {  	_ = 	snop  }
0x5: {  	_ = 	snop  }
0x6: {  	_ = 	snop  }
0x7: {  	_ = 	snop  }
__scs_overlays_trampoline_lowered:
0x8: {  	[smem:$0x3FAE] =	sst s0  }
0x9: {  	[smem:$0x3FAF] =	sst s1  }
0xa: {  	[smem:$0x3FB0] =	sst s2  }
0xb: {  	[smem:$0x3FB1] =	sst s3  }
0xc: {  	[smem:$0x3FB2] =	sst s4  }
0xd: {  	[smem:$0x3FB3] =	sst s5  }
0xe: {  	[smem:$0x3FB4] =	sst s6  }
0xf: {  	[smem:$0x3FB5] =	sst s7  }
0x10: {  	[smem:$0x3FB6] =	sst s8  }
0x11: {  	[smem:$0x3FB7] =	sst s9;
	s0 =	simm.s32 @!p0 $0x0  }
0x12: {  	s1 =	sld [smem:$0x3F9D];
	s0 =	simm.s32 @p0 $0x1  }
0x13: {  	[smem:$0x3FB8] =	sst s0;
	s0 =	simm.s32 @!p1 $0x0  }
0x14: {  	s2 =	sld [smem:$0x3F9C];
	s0 =	simm.s32 @p1 $0x1  }
0x15: {  	[smem:$0x3FB9] =	sst s0;
	s0 =	simm.s32 @!p2 $0x0  }
0x16: {  	s3 =	sld [smem:$0x3FDB];
	s0 =	simm.s32 @p2 $0x1  }
0x17: {  	s4 =	simm.s32 $0x1BF5;
	[smem:$0x3FBB] =	sst s0  }
0x18: {  	s0 =	sld [smem:$0x3F9E];
	_ =	swait.ge [sflag:s4], $0x0  }
0x19: {  	s7 =	sld [smem:$0x3F9F]  }
0x1a: {  	s8 =	sadd.s32 $0xFFFFE003, lr  }
0x1b: {  	s9 =	sadd.s32 $0xFFFFFEF7, lr;
	s5 =	simm.s32 $0xFFFFFFFF;
	p2 =	slt.u32 s8, $0xFFFFF086  }
0x1c: {  	p1 =	slt.u32 s9, $0xF7A;
	s5 =	simm.s32 @!p2 $0x0  }
0x1d: {  	s5 =	simm.s32 @p1 $0x1;
	p0 =	seq.s32 s7, s2  }
0x1e: {  	s7 =	smul.u32 @!p0 $0xF7A, s2;
	p2 =	seq.s32 @!p0 s5, $0x0  }
0x1f: {  	s9 =	smul.u32 $0xF7A, s1;
	s8 =	simm.s32 @!p0 $0x1BF5;
	p2 =	por !p2, p0  }
0x20: {  	[sflag:s8] =	ssyncset.s32 @!p0 $0xFFFFF086;
	s6 =	sadd.s32 @!p0 s3, s7;
	s7 =	simm.s32 @!p0 $0x108  }
0x21: {  	s3 =	sadd.s32 s3, s9;
	s6 =	sadd.s32 @!p0 $0x88, s6;
	s7 =	simm.s32 @p2 $0x1082  }
0x22: {  	[simem:s7], [sflag:s8] =	dma.local @!p0 [hbm:s6], $0xF7A  }
0x23: {  	s9 =	sor.u32 $0xD0000000, s2;
	s6 =	simm.s32 $0x108;
	_ =	swait.ge @!p0 [sflag:s8], $0x0  }
0x24: {  	s3 =	sadd.s32 $0x88, s3;
	s6 =	simm.s32 @!p1 $0x1082;
	[sflag:s4] =	ssyncset.s32 $0xFFFFF086  }
0x25: {  	[simem:s6], [sflag:s4] =	dma.local [hbm:s3], $0xF7A  }
0x26: {  	[smem:$0x3F9F] =	sst s1;
	(tag) =	ssettag s2;
	_ =	strace s9  }
0x27: {  	s1 =	sld [smem:$0x3FAF]  }
0x28: {  	s2 =	sld [smem:$0x3FB0]  }
0x29: {  	s4 =	sld [smem:$0x3FB2]  }
0x2a: {  	p0 =	seq.s32 s5, $0x0;
	s5 =	sld [smem:$0x3FB3]  }
0x2b: {  	s6 =	sld [smem:$0x3FB4]  }
0x2c: {  	s7 =	sld [smem:$0x3FB5]  }
0x2d: {  	s3 =	simm.s32 $0x108;
	s8 =	sld [smem:$0x3FB6]  }
0x2e: {  	s3 =	simm.s32 @!p0 $0x1082;
	s9 =	sld [smem:$0x3FB7]  }
0x2f: {  	lr =	sadd.s32 s0, s3;
	s0 =	sld [smem:$0x3FAE]  }
0x30: {  	s3 =	sld [smem:$0x3FB1]  }
0x31: {  	[smem:$0x3FBA] =	sst s10  }
0x32: {  	s10 =	sld [smem:$0x3FB8];
	_ =	sdelay $0x3  }
0x33: {  	p0 =	seq.s32 s10, $0x1;
	s10 =	sld [smem:$0x3FBA];
	_ =	sdelay $0x3  }
0x34: {  	[smem:$0x3FBA] =	sst s10  }
0x35: {  	s10 =	sld [smem:$0x3FB9];
	_ =	sdelay $0x3  }
0x36: {  	p1 =	seq.s32 s10, $0x1;
	s10 =	sld [smem:$0x3FBA];
	_ =	sdelay $0x3  }
0x37: {  	[smem:$0x3FBA] =	sst s10  }
0x38: {  	s10 =	sld [smem:$0x3FBB]  }
0x39: {  	_ = 	snop;
	(pc) =	sbr.ind lr, $3  }
0x3a: {  	_ = 	snop  }
0x3b: {  	_ = 	snop  }
0x3c: {  	p2 =	seq.s32 s10, $0x1;
	s10 =	sld [smem:$0x3FBA]  }
0x3d: {  	_ =	shalt  }
0x3e: {  	_ =	shalt  }
0x3f: {  	_ =	shalt  }
0x40: {  	_ =	shalt  }
0x41: {  	_ =	shalt  }
0x42: {  	_ =	shalt  }
0x43: {  	_ =	shalt  }
0x44: {  	_ =	shalt  }
0x45: {  	_ =	shalt  }
0x46: {  	_ =	shalt  }
0x47: {  	_ =	shalt  }
0x48: {  	_ =	shalt  }
0x49: {  	_ =	shalt  }
0x4a: {  	_ =	shalt  }
0x4b: {  	_ =	shalt  }
0x4c: {  	_ =	shalt  }
0x4d: {  	_ =	shalt  }
0x4e: {  	_ =	shalt  }
0x4f: {  	_ =	shalt  }
0x50: {  	_ =	shalt  }
0x51: {  	_ =	shalt  }
0x52: {  	_ =	shalt  }
0x53: {  	_ =	shalt  }
0x54: {  	_ =	shalt  }
0x55: {  	_ =	shalt  }
0x56: {  	_ =	shalt  }
0x57: {  	_ =	shalt  }
0x58: {  	_ =	shalt  }
0x59: {  	_ =	shalt  }
0x5a: {  	_ =	shalt  }
0x5b: {  	_ =	shalt  }
0x5c: {  	_ =	shalt  }
0x5d: {  	_ =	shalt  }
0x5e: {  	_ =	shalt  }
0x5f: {  	_ =	shalt  }
0x60: {  	_ =	shalt  }
0x61: {  	_ =	shalt  }
0x62: {  	_ =	shalt  }
0x63: {  	_ =	shalt  }
0x64: {  	_ =	shalt  }
0x65: {  	_ =	shalt  }
0x66: {  	_ =	shalt  }
0x67: {  	_ =	shalt  }
0x68: {  	_ =	shalt  }
0x69: {  	_ =	shalt  }
0x6a: {  	_ =	shalt  }
0x6b: {  	_ =	shalt  }
0x6c: {  	_ =	shalt  }
0x6d: {  	_ =	shalt  }
0x6e: {  	_ =	shalt  }
0x6f: {  	_ =	shalt  }
0x70: {  	_ =	shalt  }
0x71: {  	_ =	shalt  }
0x72: {  	_ =	shalt  }
0x73: {  	_ =	shalt  }
0x74: {  	_ =	shalt  }
0x75: {  	_ =	shalt  }
0x76: {  	_ =	shalt  }
0x77: {  	_ =	shalt  }
0x78: {  	_ =	shalt  }
0x79: {  	_ =	shalt  }
0x7a: {  	_ =	shalt  }
0x7b: {  	_ =	shalt  }
0x7c: {  	_ =	shalt  }
0x7d: {  	_ =	shalt  }
0x7e: {  	_ =	shalt  }
0x7f: {  	_ =	shalt  }
0x80: {  	_ =	shalt  }
0x81: {  	_ =	shalt  }
0x82: {  	_ =	shalt  }
0x83: {  	_ =	shalt  }
0x84: {  	_ =	shalt  }
0x85: {  	_ =	shalt  }
0x86: {  	_ =	shalt  }
0x87: {  	_ =	shalt  }
.Lfunc_end0:
.L_simem_size_0:
called_computation_lowered:
.L_overlay_start_0:
0x88: {  	s2 =	sld [smem:$0x3FD9]  }
0x89: {  	s3 =	sld [smem:$0x3FFE];
	_ =	sdelay $0x1  }
0x8a: {  	s1 =	srdreg.scid  }
0x8b: {  	s0 =	sand.u32 $0x1, s1  }
0x8c: {  	s17 =	sshll.u32 s0, $0xA;
	s2 =	sadd.s32 s3, s2  }
0x8d: {  	s2 =	sadd.s32 s2, s17  }
0x8e: {  	[smem:$0x3FC6] =	sst s2  }
0x8f: {  	_ = 	snop  }
0x90: {  	s2 =	sld [smem:$0x3FC9];
	(tm) =	ssettm $0x1  }
0x91: {  	s18 =	sld [smem:$0x3FFB];
	_ =	sdelay $0x3  }
0x92: {  	_ =	strace s18  }
0x93: {  	s3 =	sld [smem:$0x3FFC];
	_ =	sdelay $0x3  }
0x94: {  	_ =	strace s3  }
0x95: {  	s3 =	sld [smem:$0x3FFD];
	_ =	sdelay $0x3  }
0x96: {  	_ =	strace s3  }
0x97: {  	_ =	strace $0x8FFFFFFF  }
0x98: {  	s19 =	sld [smem:$0x3FDB];
	_ =	sdelay $0x1  }
0x99: {  	s4 =	simm.s32 $_scs_section_size  }
0x9a: {  	s5 =	simm.s32 $_size__tile_overlayer_lowered;
	s6 =	simm.s32 $_tile_overlayer_lowered  }
0x9b: {  	s22 =	simm.s32 $0x1BFF;
	s21 =	sshll.u32 s6, $0x1;
	s3 =	sadd.s32 s4, s19  }
0x9c: {  	s7 =	simm.s32 $0x0;
	s20 =	sshll.u32 s5, $0x1;
	s5 =	sadd.s32 s21, s3  }
0x9d: {  	[timem:s7], [sflag:s22] =	dma.local [hbm:s5], s20  }
0x9e: {  	_ =	swait.ge [sflag:s22], s20  }
0x9f: {  	s4 =	ssub.s32 $0x0, s20;
	[sflag:s22] =	ssyncset.done $0x0  }
0xa0: {  	[sflag:s22] =	ssyncadd.s32 s4;
	_ =	sdelay $0x1  }
0xa1: {  	s23 =	simm.s32 $0x1B8B  }
0xa2: {  	_ =	swait.ge [sflag:s23], $0x1  }
0xa3: {  	[sflag:s23] =	ssyncset.done $0x0  }
0xa4: {  	s25 =	simm.s32 $0x1B8E;
	s24 =	sld [smem:$0x3FFE];
	[sflag:s23] =	ssyncadd.s32 $0xFFFFFFFF  }
0xa5: {  	s26 =	simm.s32 $execute0_lowered;
	[smem:$0x3FD2] =	sst s25  }
0xa6: {  	s5 =	sshll.u32 s26, $0x1;
	_ =	strace $0x80000046;
	[dreg:$0x1] =	wrdreg $0xFFFFFFFF  }
0xa7: {  	s28 =	simm.s32 $_size_execute0_lowered;
	s3 =	sadd.s32 s3, s5;
	[dreg:$0x0] =	wrdreg $0x0  }
0xa8: {  	s5 =	sshll.u32 s28, $0x1;
	[dreg:$0x2] =	wrdreg s3  }
0xa9: {  	[dreg:$0x3] =	wrdreg s5  }
0xaa: {  	[dreg:$0x4] =	wrdreg $0xC0  }
0xab: {  	_ =	task [dreg:s7], $0x5FFFF  }
0xac: {  	[dreg:$0x1] =	wrdreg $0xFFFFFFFF  }
0xad: {  	[dreg:$0x0] =	wrdreg $0x60  }
0xae: {  	[dreg:$0x2] =	wrdreg s2  }
0xaf: {  	[dreg:$0x3] =	wrdreg s24  }
0xb0: {  	[dreg:$0x4] =	wrdreg $0x9  }
0xb1: {  	_ =	task.clear_ibuf [dreg:s7], $0x5FFFF;
	_ =	strace $0x90000046  }
0xb2: {  	s29 =	simm.s32 $0x9;
	_ =	strace $0x80000048  }
0xb3: {  	_ =	swait.ge [sflag:s29], $0x1  }
0xb4: {  	[sflag:s29] =	ssyncadd.s32 $0xFFFFFFFF  }
0xb5: {  	_ =	strace $0x90000048  }
0xb6: {  	_ =	sfence  }
0xb7: {  	s30 =	sld [smem:$0x0];
	_ =	sdelay $0x2  }
0xb8: {  	s31 =	sshll.u32 s1, $0xD;
	s1 =	sshrl.u32 s1, $0x2  }
0xb9: {  	s3 =	sand.u32 $0x4000, s31;
	s1 =	sadd.s32 s1, s30  }
0xba: {  	s0 =	sor.u32 s3, s0;
	s1 =	sshll.u32 s1, $0x11  }
0xbb: {  	s0 =	sor.u32 s1, s0  }
0xbc: {  	s0 =	sadd.s32 $0x8F2B, s0  }
0xbd: {  	[sflag:s0] =	ssyncadd.remote.s32 $0x1  }
0xbe: {  	_ =	sfence.sel $0xFFFF  }
0xbf: {  	[dreg:$0x0] =	wrdreg $0xFFFFFFFF;
	(pc) =	sbr.abs _section_cstart, $3  }
0xc0: {  	[dreg:$0x1] =	wrdreg $0xFFFFFFFF  }
0xc1: {  	_ =	task.clear_ibuf [dreg:s7], $0x2FFFF;
	_ =	strace $0x9FFFFFFF  }
0xc2: {  	(tm) =	ssettm $0x7FFFFFFF  }
0xc3: {  	_ =	shalt  }
tec
execute0_lowered:
.L_overlay_start_1:
0x0: {  	(tag) =	ssettag $0x1  }
0x1: {  	s9 =	rddreg [dreg:$0x0]  }
0x2: {  	s1 =	rddreg [dreg:$0x1];
	s0 =	simm.s32 $0x0;
	s21 =	srdreg.scid  }
0x3: {  	s10 =	stileid.u32;
	[smem:$0x7FF] =	sst s0;
	s0 =	sand.u32 $0x1, s21  }
0x4: {  	s1 =	sadd.s32 $0x200, s1;
	s3 =	sshll.u32 s10, $0x1;
	s22 =	sshrl.u32 s10, $0x2  }
0x5: {  	s25 =	sshll.u32 s10, $0xC;
	s26 =	sshll.u32 s10, $0x10;
	_ =	strace $0x80000047  }
0x6: {  	s2 =	ssub.s32 $0x2, s0;
	s6 =	sor.u32 s0, s3;
	s3 =	sor.u32 $0x40, s22  }
0x7: {  	s0 =	sshll.u32 s0, $0xF;
	s4 =	sshrl.u32 s2, $0x1;
	s5 =	sshll.u32 s6, $0x4  }
0x8: {  	[dreg:$0x3] =	wrdreg s6;
	s6 =	sshll.u32 s6, $0xF;
	s8 =	sshll.u32 s3, $0x12  }
0x9: {  	s0 =	sor.u32 s0, s26;
	s3 =	sshll.u32 s3, $0x6;
	s7 =	sand.u32 $0x70, s5  }
0xa: {  	s22 =	sand.u32 $0x38000, s6;
	s2 =	ssub.s32 s2, s4;
	s31 =	sshrl.u32 s3, $0x2  }
0xb: {  	s5 =	sor.u32 s5, s25;
	s0 =	sshrl.u32 s0, $0xF;
	[dreg:$0xe] =	wrdreg s31  }
0xc: {  	s23 =	sadd.s32 s1, s7;
	s24 =	sor.u32 s8, s22;
	[dreg:$0x4] =	wrdreg s22  }
0xd: {  	s0 =	sand.u32 $0x7, s0;
	s2 =	smax.u32 s2, $0x1;
	[dreg:$0x5] =	wrdreg s23  }
0xe: {  	s28 =	sand.u32 $0xC070, s5;
	s29 =	sshll.u32 s0, $0xF;
	[dreg:$0xa] =	wrdreg s2  }
0xf: {  	s4 =	sshrl.u32 s24, $0x3;
	s23 =	sadd.s32 $0x8000, s22;
	[dreg:$0x9] =	wrdreg s29  }
0x10: {  	s1 =	sadd.s32 s28, s1;
	s4 =	sadd.s32 s9, s4;
	[dreg:$0x7] =	wrdreg s23  }
.Ltmp0:
0x11: {  	s1 =	sadd.s32 $0x20000, s1;
	[dreg:$0x6] =	wrdreg s4;
	(pc) =	sbr.rel .LBB2_1-.Ltmp0, $4  }
0x12: {  	s0 =	sshll.u32 s0, $0x12;
	s30 =	sxor.u32 $0xFFFFFF80, s29;
	[dreg:$0x8] =	wrdreg s1  }
0x13: {  	s0 =	ssub.s32 $0x0, s0;
	[dreg:$0xb] =	wrdreg s30  }
0x14: {  	s20 =	simm.s32 $0x10000;
	s1 =	sadd.s32 $0x8000, s29;
	[dreg:$0xd] =	wrdreg s0  }
0x15: {  	v0 =	vimm.f32 $0.0e+00;
	v1 =	vimm.f32 $1.000000000e+00;
	v2 =	vlaneseq.u32;
	s3 =	simm.s32 $0x0;
	s24 =	simm.s32 $0x3;
	[dreg:$0xc] =	wrdreg s1  }
.LBB2_52:
0x16: {  	_ =	sdelay $0x3  }
0x17: {  	v10 =	vshrl.u32 v10, $0x11;
	v8 =	vmul.f32 v8, v8;
	[tilespmem:v7+s20+$0x0] =	vst.idx.add.f32.msk $0xffff, v1  }
0x18: {  	[tilespmem:v6+s20+$0x0] =	vst.idx.add.f32.msk $0xffff, v1;
	v62 =	vshrl.u32 v9, $0x11  }
0x19: {  	[tilespmem:v5+s20+$0x0] =	vst.idx.add.f32.msk $0xffff, v1;
	v63 =	vshrl.u32 v8, $0x11  }
0x1a: {  	[tilespmem:v4+s20+$0x0] =	vst.idx.add.f32.msk $0xffff, v1  }
0x1b: {  	[tilespmem:v3+s20+$0x0] =	vst.idx.add.f32.msk $0xffff, v1  }
0x1c: {  	[tilespmem:v10+s20+$0x0] =	vst.idx.add.f32.msk $0xffff, v1  }
0x1d: {  	[tilespmem:v62+s20+$0x0] =	vst.idx.add.f32.msk $0xffff, v1  }
0x1e: {  	[tilespmem:v63+s20+$0x0] =	vst.idx.add.f32.msk $0xffff, v1  }
0x1f: {  	s3 =	rddreg [dreg:$0xf]  }
.LBB2_53:
0x20: {  	s0 =	rddreg [dreg:$0x8];
	s1 =	simm.s32 $0x80;
	s2 =	simm.s32 $0x400  }
0x21: {  	[hbm4b:s0+s1] =	stream.strided.scatter [tilespmem:s20], [sflag:$0x3], $0x4000, s2, s1, $0x38;
	[tilespmem:$0x14480] =	vst v63  }
0x22: {  	_ =	swait.ge [sflag:s24], $0x4000  }
0x23: {  	s3 =	sadd.s32 $0x1, s3;
	s31 =	rddreg [dreg:$0xa]  }
0x24: {  	p0 =	sne.s32 s3, s31  }
.Ltmp1:
0x25: {  	_ = 	snop;
	(pc) =	sbr.rel @!p0 .LBB2_54-.Ltmp1, $3  }
0x26: {  	_ =	sdelay $0x1  }
0x27: {  	[sflag:s24] =	ssyncset.done $0x0  }
0x28: {  	[sflag:s24] =	ssyncadd.s32 $0xFFFFC000  }
.LBB2_1:
0x29: {  	[dreg:$0xf] =	wrdreg s3  }
0x2a: {  	s0 =	rddreg [dreg:$0x1]  }
.Ltmp2:
0x2b: {  	s1 =	simm.s32 $0x0;
	s2 =	simm.s32 $0x14000;
	(pc) =	sbr.rel .LBB2_2-.Ltmp2, $4  }
0x2c: {  	[tilespmem:s2], [sflag:$0x3] =	stream.linear.gather [hbm4b:s0+s1], $0x480, $0x38;
	[tilespmem:$0x14480] =	vst v63  }
0x2d: {  	_ =	swait.ge [sflag:s24], $0x480  }
0x2e: {  	[sflag:s24] =	ssyncset.done $0x0  }
0x2f: {  	p1 =	por $0x1, $0x1;
	s0 =	simm.s32 $0x0;
	[sflag:s24] =	ssyncadd.s32 $0xFFFFFB80  }
.LBB2_24:
0x30: {  	s0 =	rddreg [dreg:$0x10]  }
0x31: {  	s1 =	rddreg [dreg:$0x5];
	s0 =	sshll.u32 s0, $0xB  }
0x32: {  	s31 =	simm.s32 $0x80;
	s2 =	simm.s32 $0x400;
	s0 =	sand.u32 $0x1C000, s0  }
.Ltmp3:
0x33: {  	s24 =	simm.s32 $0x3;
	s0 =	sadd.s32 s0, s1;
	(pc) =	sbr.rel @!p0 .LBB2_25-.Ltmp3, $4  }
0x34: {  	[hbm4b:s0+s31] =	stream.strided.scatter [tilespmem:s20], [sflag:$0x3], $0x4000, s2, s31, $0x38;
	[tilespmem:$0x14480] =	vst v63  }
0x35: {  	_ =	swait.ge [sflag:s24], $0x4000  }
0x36: {  	[sflag:s24] =	ssyncset.done $0x0  }
0x37: {  	p1 =	por $0x0, $0x0;
	s0 =	simm.s32 $0x20;
	[sflag:s24] =	ssyncadd.s32 $0xFFFFC000  }
.LBB2_2:
0x38: {  	s1 =	simm.s32 $0x10040  }
0x39: {  	[tilespmem:s1+$0xFFFFFFC0] =	vst v0  }
0x3a: {  	[tilespmem:s1+$0x30] =	vst v0  }
0x3b: {  	[tilespmem:s1+$0x20] =	vst v0  }
0x3c: {  	[tilespmem:s1+$0x10] =	vst v0  }
0x3d: {  	[tilespmem:s1+$0x0] =	vst v0  }
0x3e: {  	[tilespmem:s1+$0xFFFFFFF0] =	vst v0  }
0x3f: {  	p0 =	por p1, p1;
	s2 =	simm.s32 $0x0;
	[tilespmem:s1+$0xFFFFFFE0] =	vst v0  }
.LBB2_3:
0x40: {  	s2 =	sadd.s32 $0x80, s2;
	[tilespmem:s1+$0xFFFFFFD0] =	vst v0;
	s1 =	sadd.s32 $0x80, s1  }
0x41: {  	[tilespmem:s1+$0xFFFFFFC0] =	vst v0;
	p1 =	slt.u32 s2, $0x3F80  }
0x42: {  	[tilespmem:s1+$0x30] =	vst v0  }
.Ltmp4:
0x43: {  	[tilespmem:s1+$0x20] =	vst v0;
	(pc) =	sbr.rel @p1 .LBB2_3-.Ltmp4, $4  }
0x44: {  	[tilespmem:s1+$0x10] =	vst v0  }
0x45: {  	[tilespmem:s1+$0x0] =	vst v0  }
0x46: {  	[tilespmem:s1+$0xFFFFFFF0] =	vst v0  }
0x47: {  	[tilespmem:s1+$0xFFFFFFE0] =	vst v0  }
0x48: {  	s2 =	rddreg [dreg:$0x3]  }
0x49: {  	s2 =	sor.u32 s2, s0  }
0x4a: {  	s0 =	sshll.u32 s2, $0x4  }
0x4b: {  	[tilespmem:s1+$0xFFFFFFD0] =	vst v0;
	s0 =	sand.u32 $0x3FFFFFF0, s0  }
0x4c: {  	v3 =	vld [tilespmem:s0+$0x14000];
	_ =	sdelay $0x4  }
0x4d: {  	(v2sf) =	vpush v3, $0x1;
	_ =	sdelay $0xd  }
0x4e: {  	s26 =	rddreg [dreg:$0x0];
	s31 =	simm.s32 $0x0  }
0x4f: {  	s16 =	simm.s32 $0x8000;
	s30 =	simm.s32 $0xFFFFFF80;
	s28 =	spop (v2sf)  }
0x50: {  	s13 =	simm.s32 $0x10000;
	s14 =	simm.s32 $0xFFFF7F80;
	s24 =	scvt.f32.s32 s28  }
0x51: {  	s15 =	simm.s32 $0xFFFF8000;
	[dreg:$0x15] =	wrdreg s30;
	s25 =	sshll.u32 s2, $0xF  }
0x52: {  	[dreg:$0x10] =	wrdreg s2;
	s3 =	sshll.u32 s2, $0x12;
	s1 =	sadd.s32 $0xFFFFFFE6, s24  }
0x53: {  	[dreg:$0x12] =	wrdreg s3;
	s0 =	sadd.s32 $0x1B, s24;
	p1 =	sgt.s32 s1, $0x0  }
0x54: {  	s29 =	sor.u32 $0x10000, s3;
	s1 =	simm.s32 @!p1 $0x0;
	p1 =	sgt.s32 s0, $0x0  }
.Ltmp5:
0x55: {  	s1 =	smin.u32 s1, $0x200;
	s0 =	simm.s32 @!p1 $0x0;
	(pc) =	sbr.rel .LBB2_5-.Ltmp5, $4  }
0x56: {  	[dreg:$0x14] =	wrdreg s29;
	s0 =	smin.u32 s0, $0x200;
	s1 =	sshll.u32 s1, $0x9  }
0x57: {  	[dreg:$0x11] =	wrdreg s1;
	s1 =	sadd.s32 s26, s25;
	s0 =	sshll.u32 s0, $0x9  }
0x58: {  	[tilespmem:s31], [sflag:$0x1] =	stream.linear.gather [hbm4b:s1+s31], $0x8000, $0x38;
	[tilespmem:$0x14480] =	vst v63  }
0x59: {  	s11 =	simm.s32 $0x0;
	s8 =	simm.s32 $0x0;
	v3 =	vbroadcast v3, $0x0;
	[dreg:$0x13] =	wrdreg s0  }
.LBB2_22:
0x5a: {  	_ =	sdelay $0x3  }
0x5b: {  	v11 =	vshrl.u32 v11, $0x11;
	v9 =	vmul.f32 v9, v9;
	[tilespmem:v8+s20+$0x0] =	vst.idx.add.f32.msk $0xffff, v1  }
0x5c: {  	[tilespmem:v7+s20+$0x0] =	vst.idx.add.f32.msk $0xffff, v1;
	v62 =	vshrl.u32 v10, $0x11  }
0x5d: {  	[tilespmem:v6+s20+$0x0] =	vst.idx.add.f32.msk $0xffff, v1;
	v63 =	vshrl.u32 v9, $0x11  }
0x5e: {  	[tilespmem:v5+s20+$0x0] =	vst.idx.add.f32.msk $0xffff, v1  }
0x5f: {  	[tilespmem:v4+s20+$0x0] =	vst.idx.add.f32.msk $0xffff, v1  }
0x60: {  	[tilespmem:v11+s20+$0x0] =	vst.idx.add.f32.msk $0xffff, v1  }
0x61: {  	[tilespmem:v62+s20+$0x0] =	vst.idx.add.f32.msk $0xffff, v1  }
0x62: {  	[tilespmem:v63+s20+$0x0] =	vst.idx.add.f32.msk $0xffff, v1  }
.LBB2_23:
0x63: {  	s8 =	sadd.s32 $0x1, s8  }
0x64: {  	p1 =	sne.s32 s8, $0x4  }
.Ltmp6:
0x65: {  	_ = 	snop;
	(pc) =	sbr.rel @!p1 .LBB2_24-.Ltmp6, $4  }
0x66: {  	_ = 	snop  }
0x67: {  	s11 =	sadd.s32 $0x10000, s11;
	s16 =	sadd.s32 $0x10000, s16;
	s0 =	rddreg [dreg:$0x15]  }
0x68: {  	s31 =	sadd.s32 $0xFFFF0000, s31;
	s13 =	sadd.s32 $0x10000, s13;
	s0 =	sadd.s32 $0xFFFF0000, s0  }
0x69: {  	s14 =	sadd.s32 $0xFFFF0000, s14;
	s15 =	sadd.s32 $0xFFFF0000, s15;
	[dreg:$0x15] =	wrdreg s0  }
.LBB2_5:
0x6a: {  	s12 =	sshll.u32 s8, $0x10  }
0x6b: {  	s0 =	rddreg [dreg:$0x12];
	s10 =	sor.u32 $0x8000, s12  }
0x6c: {  	s26 =	rddreg [dreg:$0x11];
	s1 =	sor.u32 s0, s10  }
0x6d: {  	s24 =	rddreg [dreg:$0x0];
	s29 =	smax.u32 s12, s26;
	s1 =	sshrl.u32 s1, $0x3  }
0x6e: {  	s1 =	sadd.s32 s24, s1;
	s24 =	smin.u32 s10, s29  }
0x6f: {  	s9 =	ssub.s32 s24, s12  }
0x70: {  	s25 =	simm.s32 $0x0;
	p1 =	slt.s32 s9, $0x1  }
.Ltmp7:
0x71: {  	s2 =	simm.s32 $0x8000;
	s30 =	simm.s32 $0x1;
	(pc) =	sbr.rel @p1 .LBB2_9-.Ltmp7, $4  }
0x72: {  	[tilespmem:s2], [sflag:$0x2] =	stream.linear.gather [hbm4b:s1+s25], $0x8000, $0x38;
	[tilespmem:$0x14480] =	vst v63  }
0x73: {  	_ =	swait.ge [sflag:s30], $0x8000  }
0x74: {  	[sflag:s30] =	ssyncset.done $0x0  }
0x75: {  	[sflag:s30] =	ssyncadd.s32 $0xFFFF8000  }
0x76: {  	s1 =	simm.s32 $0x0  }
0x77: {  	s4 =	sand.u32 $0x7FFFF000, s1;
	s5 =	sand.u32 $0xC00, s1  }
0x78: {  	s1 =	sand.u32 $0x380, s1;
	s4 =	sor.u32 s5, s4  }
0x79: {  	s1 =	sor.u32 s1, s4  }
0x7a: {  	v4 =	vld [tilespmem:s1+$0x70]  }
0x7b: {  	v5 =	vld [tilespmem:s1+$0x0]  }
0x7c: {  	v6 =	vld [tilespmem:s1+$0x10]  }
0x7d: {  	v7 =	vld [tilespmem:s1+$0x20]  }
0x7e: {  	v8 =	vld [tilespmem:s1+$0x30]  }
0x7f: {  	v4 =	vmul.f32 v4, v4  }
0x80: {  	v9 =	vld [tilespmem:s1+$0x40]  }
0x81: {  	v10 =	vld [tilespmem:s1+$0x50];
	v12 =	vshrl.u32 v4, $0x11;
	v4 =	vmul.f32 v5, v5  }
0x82: {  	p1 =	sgt.s32 s9, $0x80;
	v11 =	vld [tilespmem:s1+$0x60];
	v5 =	vmul.f32 v6, v6  }
.Ltmp8:
0x83: {  	v13 =	vmul.f32 v8, v8;
	v6 =	vmul.f32 v7, v7;
	v8 =	vshrl.u32 v4, $0x11;
	(pc) =	sbr.rel @!p1 .LBB2_8-.Ltmp8, $4  }
0x84: {  	v7 =	vshrl.u32 v5, $0x11  }
0x85: {  	v9 =	vmul.f32 v9, v9;
	v6 =	vshrl.u32 v6, $0x11  }
0x86: {  	v10 =	vmul.f32 v10, v10  }
0x87: {  	s5 =	simm.s32 $0x400;
	s4 =	simm.s32 $0x20;
	s1 =	simm.s32 $0x80;
	v4 =	vshrl.u32 v13, $0x11;
	v5 =	vshrl.u32 v9, $0x11;
	v9 =	vmul.f32 v11, v11;
	[tilespmem:v12+s20+$0x0] =	vst.idx.add.f32.msk $0xffff, v1  }
.LBB2_7:
0x88: {  	s6 =	sand.u32 $0x7FFFF000, s1;
	s7 =	sand.u32 $0xC00, s5;
	s1 =	sadd.s32 $0x80, s1;
	[tilespmem:v8+s20+$0x0] =	vst.idx.add.f32.msk $0xffff, v1;
	v10 =	vshrl.u32 v10, $0x11  }
0x89: {  	s17 =	sand.u32 $0x380, s4;
	s6 =	sor.u32 s7, s6;
	p1 =	slt.s32 s1, s9;
	[tilespmem:v7+s20+$0x0] =	vst.idx.add.f32.msk $0xffff, v1;
	v9 =	vshrl.u32 v9, $0x11  }
0x8a: {  	s6 =	sor.u32 s17, s6;
	[tilespmem:v6+s20+$0x0] =	vst.idx.add.f32.msk $0xffff, v1  }
0x8b: {  	v6 =	vld [tilespmem:s6+$0x70]  }
0x8c: {  	v7 =	vld [tilespmem:s6+$0x0]  }
0x8d: {  	v8 =	vld [tilespmem:s6+$0x10]  }
0x8e: {  	v11 =	vld [tilespmem:s6+$0x20]  }
0x8f: {  	v12 =	vld [tilespmem:s6+$0x30]  }
0x90: {  	v13 =	vld [tilespmem:s6+$0x40];
	v6 =	vmul.f32 v6, v6  }
0x91: {  	v7 =	vmul.f32 v7, v7;
	v14 =	vld [tilespmem:s6+$0x50]  }
0x92: {  	v15 =	vmul.f32 v8, v8;
	v16 =	vld [tilespmem:s6+$0x60];
	v17 =	vshrl.u32 v6, $0x11  }
.Ltmp9:
0x93: {  	v8 =	vshrl.u32 v7, $0x11;
	v6 =	vmul.f32 v11, v11;
	[tilespmem:v4+s20+$0x0] =	vst.idx.add.f32.msk $0xffff, v1;
	(pc) =	sbr.rel @p1 .LBB2_7-.Ltmp9, $4  }
0x94: {  	v7 =	vshrl.u32 v15, $0x11;
	v4 =	vmul.f32 v12, v12;
	[tilespmem:v5+s20+$0x0] =	vst.idx.add.f32.msk $0xffff, v1  }
0x95: {  	v6 =	vshrl.u32 v6, $0x11;
	v5 =	vmul.f32 v13, v13;
	[tilespmem:v10+s20+$0x0] =	vst.idx.add.f32.msk $0xffff, v1  }
0x96: {  	v4 =	vshrl.u32 v4, $0x11;
	v10 =	vmul.f32 v14, v14;
	[tilespmem:v9+s20+$0x0] =	vst.idx.add.f32.msk $0xffff, v1  }
0x97: {  	s4 =	sadd.s32 $0x20, s4;
	s5 =	sadd.s32 $0x400, s5;
	v5 =	vshrl.u32 v5, $0x11;
	v9 =	vmul.f32 v16, v16;
	[tilespmem:v17+s20+$0x0] =	vst.idx.add.f32.msk $0xffff, v1  }
.LBB2_8:
0x98: {  	_ =	sdelay $0x3  }
0x99: {  	[tilespmem:v8+s20+$0x0] =	vst.idx.add.f32.msk $0xffff, v1;
	v62 =	vshrl.u32 v10, $0x11  }
0x9a: {  	[tilespmem:v7+s20+$0x0] =	vst.idx.add.f32.msk $0xffff, v1;
	v63 =	vshrl.u32 v9, $0x11  }
0x9b: {  	[tilespmem:v6+s20+$0x0] =	vst.idx.add.f32.msk $0xffff, v1  }
0x9c: {  	[tilespmem:v4+s20+$0x0] =	vst.idx.add.f32.msk $0xffff, v1  }
0x9d: {  	[tilespmem:v5+s20+$0x0] =	vst.idx.add.f32.msk $0xffff, v1  }
0x9e: {  	[tilespmem:v62+s20+$0x0] =	vst.idx.add.f32.msk $0xffff, v1  }
0x9f: {  	[tilespmem:v63+s20+$0x0] =	vst.idx.add.f32.msk $0xffff, v1  }
.LBB2_9:
0xa0: {  	s0 =	rddreg [dreg:$0x13]  }
0xa1: {  	s1 =	smax.u32 s12, s0  }
0xa2: {  	s1 =	smin.u32 s10, s1  }
0xa3: {  	s6 =	ssub.s32 s1, s12  }
0xa4: {  	s1 =	ssub.s32 s6, s9  }
0xa5: {  	s25 =	sshra.s32 s1, $0x9  }
0xa6: {  	p1 =	sgt.s32 s25, $0x0  }
.Ltmp10:
0xa7: {  	_ = 	snop;
	(pc) =	sbr.rel @p1 .LBB2_35-.Ltmp10, $4  }
.Ltmp11:
0xa8: {  	_ = 	snop;
	(pc) =	sbr.rel @!p1 .LBB2_10-.Ltmp11, $4  }
0xa9: {  	_ = 	snop  }
0xaa: {  	_ = 	snop  }
0xab: {  	s22 =	simm.s32 $0x0;
	s23 =	simm.s32 $0x0  }
0xac: {  	_ = 	snop  }
.LBB2_36:
.Ltmp12:
0xad: {  	(pc) =	sbr.rel .LBB2_41-.Ltmp12, $2  }
0xae: {  	_ =	sdelay $0x2  }
0xaf: {  	_ = 	snop  }
.LBB2_38:
.Ltmp13:
0xb0: {  	(pc) =	sbr.rel .LBB2_41-.Ltmp13, $2  }
0xb1: {  	_ =	sdelay $0x2  }
0xb2: {  	s1 =	simm.s32 $0x60  }
.LBB2_35:
0xb3: {  	s4 =	sshll.u32 s23, $0x9  }
0xb4: {  	s1 =	sadd.s32 s24, s4  }
0xb5: {  	s5 =	sshrl.u32 s1, $0x9;
	s1 =	simm.s32 $0x20  }
0xb6: {  	s7 =	simm.s32 $0x30;
	s17 =	simm.s32 $0x0;
	s5 =	scvt.s32.f32 s5;
	v4 =	vor.u32 s1, v2  }
0xb7: {  	s18 =	simm.s32 $0x10;
	v5 =	vor.u32 s7, v2;
	v6 =	vor.u32 s17, v2;
	v4 =	vcvt.s32.f32 v4  }
0xb8: {  	v7 =	vor.u32 s18, v2;
	v5 =	vcvt.s32.f32 v5;
	v6 =	vcvt.s32.f32 v6;
	s5 =	ssub.f32 s5, s28  }
0xb9: {  	v7 =	vcvt.s32.f32 v7;
	v4 =	vsub.f32 v4, v3  }
0xba: {  	v8 =	vsub.f32 v5, v3;
	v6 =	vsub.f32 v6, v3;
	s5 =	smul.f32 s5, s5  }
0xbb: {  	v7 =	vsub.f32 v7, v3;
	v4 =	vmul.f32 v4, v4  }
0xbc: {  	v8 =	vmul.f32 v8, v8;
	v6 =	vmul.f32 v6, v6;
	v5 =	vmov s5  }
0xbd: {  	v7 =	vmul.f32 v7, v7;
	v4 =	vadd.f32 v4, v5  }
0xbe: {  	p2 =	por $0x1, $0x1;
	s4 =	sadd.s32 s9, s4;
	v8 =	vadd.f32 v8, v5;
	v6 =	vadd.f32 v6, v5  }
.Ltmp14:
0xbf: {  	s19 =	sshrl.u32 s4, $0x2;
	v7 =	vadd.f32 v7, v5;
	v4 =	vmul.f32 $-3.125000000e-02, v4;
	(pc) =	sbr.rel @!p2 .LBB2_36-.Ltmp14, $4  }
0xc0: {  	s30 =	sand.u32 $0x380, s19;
	v8 =	vmul.f32 $-3.125000000e-02, v8;
	v6 =	vmul.f32 $-3.125000000e-02, v6  }
0xc1: {  	p1 =	por $0x0, $0x0;
	v7 =	vmul.f32 $-3.125000000e-02, v7;
	v9 =	vmul.f32 $1.442695020e+00, v4;
	v4 =	vmov s30  }
0xc2: {  	s26 =	sand.u32 $0x40, s17;
	s17 =	sand.u32 $0x50, s18;
	s18 =	sand.u32 $0x70, s7;
	v11 =	vmul.f32 $1.442695020e+00, v6;
	v6 =	vmul.f32 $1.442695020e+00, v8  }
0xc3: {  	s19 =	sand.u32 $0xC00, s22;
	s5 =	sand.u32 $0xFFFFF000, s4;
	s4 =	simm.s32 $0x70;
	v12 =	vmul.f32 $1.442695020e+00, v7;
	(erf) = vpow2.f32 v9  }
0xc4: {  	v7 =	vor.u32 s4, v2  }
0xc5: {  	v7 =	vcvt.s32.f32 v7  }
0xc6: {  	s7 =	simm.s32 $0x60;
	(erf) = vpow2.f32 v11  }
0xc7: {  	s21 =	simm.s32 $0x40;
	s19 =	sadd.s32 s19, s5;
	s1 =	sand.u32 $0x60, s1;
	v8 =	vor.u32 s7, v2;
	v7 =	vsub.f32 v7, v3  }
0xc8: {  	s3 =	simm.s32 $0x50;
	(erf) = vpow2.f32 v12;
	v9 =	vor.u32 s21, v2;
	s1 =	sadd.s32 s1, s19;
	v8 =	vcvt.s32.f32 v8  }
0xc9: {  	v10 =	vor.u32 s3, v2;
	v9 =	vcvt.s32.f32 v9;
	v11 =	vld.idx.msk [tilespmem:v4+s1+$0x0 ss:$0x1], $0xffff;
	v7 =	vmul.f32 v7, v7  }
0xca: {  	s29 =	sadd.s32 s26, s19;
	v10 =	vcvt.s32.f32 v10;
	v8 =	vsub.f32 v8, v3  }
0xcb: {  	(erf) = vpow2.f32 v6;
	v6 =	vsub.f32 v9, v3;
	v9 =	vld.idx.msk [tilespmem:v4+s29+$0x0 ss:$0x1], $0xffff;
	v7 =	vadd.f32 v7, v5  }
0xcc: {  	v10 =	vsub.f32 v10, v3  }
0xcd: {  	s17 =	sadd.s32 s17, s19;
	v8 =	vmul.f32 v8, v8;
	v6 =	vmul.f32 v6, v6;
	v13 =	vpop (erf)  }
0xce: {  	v12 =	vld.idx.msk [tilespmem:v4+s17+$0x0 ss:$0x1], $0xffff;
	v10 =	vmul.f32 v10, v10;
	v11 =	vsub.f32 v11, v13  }
0xcf: {  	s30 =	sadd.s32 s18, s19;
	v8 =	vadd.f32 v8, v5;
	v6 =	vadd.f32 v6, v5;
	v13 =	vmul.f32 $-3.125000000e-02, v7;
	v7 =	vpop (erf)  }
0xd0: {  	p2 =	por $0x1, $0x1;
	v14 =	vld.idx.msk [tilespmem:v4+s30+$0x0 ss:$0x1], $0xffff;
	v15 =	vadd.f32 v10, v5;
	v10 =	vsub.f32 v9, v7;
	v9 =	vmul.f32 v11, v11  }
.Ltmp15:
0xd1: {  	v8 =	vmul.f32 $-3.125000000e-02, v8;
	(pc) =	sbr.rel @!p2 .LBB2_38-.Ltmp15, $4  }
0xd2: {  	v6 =	vmul.f32 $-3.125000000e-02, v6;
	v7 =	vpop (erf)  }
0xd3: {  	p1 =	por $0x1, $0x1;
	v7 =	vsub.f32 v12, v7;
	v12 =	vmul.f32 $-3.125000000e-02, v15;
	v15 =	vmul.f32 $1.442695020e+00, v8  }
0xd4: {  	s26 =	sand.u32 $0x40, s21;
	s18 =	sand.u32 $0x70, s4;
	s4 =	simm.s32 $0x200;
	v11 =	vmul.f32 $1.442695020e+00, v6;
	v6 =	vmul.f32 $1.442695020e+00, v13;
	v8 =	vshrl.u32 v9, $0x11;
	v9 =	vpop (erf)  }
0xd5: {  	s17 =	sand.u32 $0x50, s3;
	s19 =	sand.u32 $0xC00, s4;
	s1 =	simm.s32 $0xB0;
	v12 =	vmul.f32 $1.442695020e+00, v12;
	(erf) = vpow2.f32 v15;
	v9 =	vsub.f32 v14, v9  }
.LBB2_39:
0xd6: {  	v13 =	vor.u32 s1, v2;
	s3 =	sadd.s32 s19, s5;
	s19 =	sand.u32 $0x60, s7;
	s7 =	sadd.s32 $0xFFFFFFF0, s1;
	(erf) = vpow2.f32 v11;
	v10 =	vmul.f32 v10, v10  }
0xd7: {  	s21 =	sadd.s32 $0xFFFFFFD0, s1;
	s30 =	sadd.s32 $0xFFFFFFE0, s1;
	v11 =	vor.u32 s7, v2;
	v13 =	vcvt.s32.f32 v13;
	s19 =	sadd.s32 s19, s3;
	(erf) = vpow2.f32 v12  }
0xd8: {  	s29 =	sand.u32 $0x40, s21;
	v12 =	vor.u32 s21, v2;
	s0 =	sand.u32 $0x50, s30;
	v14 =	vor.u32 s30, v2;
	s30 =	sand.u32 $0x70, s1;
	v11 =	vcvt.s32.f32 v11;
	v15 =	vld.idx.msk [tilespmem:v4+s19+$0x0 ss:$0x1], $0xffff  }
0xd9: {  	s2 =	sadd.s32 s17, s3;
	v12 =	vcvt.s32.f32 v12;
	v14 =	vcvt.s32.f32 v14;
	s19 =	sadd.s32 s26, s3;
	s3 =	sadd.s32 s18, s3;
	v13 =	vsub.f32 v13, v3;
	[tilespmem:v8+s20+$0x0] =	vst.idx.add.f32.msk $0xffff, v1  }
0xda: {  	p2 =	slt.u32 s21, $0x1C0;
	s26 =	smov.u32 s29;
	s17 =	smov.u32 s0;
	v8 =	vsub.f32 v11, v3;
	v11 =	vld.idx.msk [tilespmem:v4+s19+$0x0 ss:$0x1], $0xffff;
	(erf) = vpow2.f32 v6;
	v6 =	vmul.f32 v7, v7  }
0xdb: {  	s18 =	smov.u32 s30;
	v7 =	vsub.f32 v12, v3;
	v12 =	vsub.f32 v14, v3;
	v18 =	vmul.f32 v13, v13;
	v14 =	vld.idx.msk [tilespmem:v4+s2+$0x0 ss:$0x1], $0xffff  }
0xdc: {  	v9 =	vmul.f32 v9, v9;
	v17 =	vshrl.u32 v10, $0x11;
	v8 =	vmul.f32 v8, v8;
	v16 =	vld.idx.msk [tilespmem:v4+s3+$0x0 ss:$0x1], $0xffff  }
0xdd: {  	v20 =	vmul.f32 v7, v7;
	v10 =	vmul.f32 v12, v12;
	v12 =	vadd.f32 v18, v5  }
0xde: {  	v19 =	vshrl.u32 v9, $0x11;
	v18 =	vshrl.u32 v6, $0x11;
	v8 =	vadd.f32 v8, v5;
	v13 =	vpop (erf)  }
0xdf: {  	v6 =	vadd.f32 v20, v5;
	v9 =	vmul.f32 $-3.125000000e-02, v12;
	v12 =	vsub.f32 v15, v13;
	v7 =	vpop (erf)  }
.Ltmp16:
0xe0: {  	v13 =	vadd.f32 v10, v5;
	v8 =	vmul.f32 $-3.125000000e-02, v8;
	v10 =	vsub.f32 v11, v7;
	v7 =	vpop (erf);
	(pc) =	sbr.rel @p2 .LBB2_39-.Ltmp16, $4  }
0xe1: {  	v6 =	vmul.f32 $-3.125000000e-02, v6;
	v7 =	vsub.f32 v14, v7;
	v12 =	vmul.f32 v12, v12;
	[tilespmem:v17+s20+$0x0] =	vst.idx.add.f32.msk $0xffff, v1  }
0xe2: {  	v13 =	vmul.f32 $-3.125000000e-02, v13;
	v14 =	vmul.f32 $1.442695020e+00, v8  }
0xe3: {  	s4 =	sadd.s32 $0x200, s4;
	v11 =	vmul.f32 $1.442695020e+00, v6;
	v6 =	vmul.f32 $1.442695020e+00, v9;
	v8 =	vshrl.u32 v12, $0x11;
	v9 =	vpop (erf);
	[tilespmem:v18+s20+$0x0] =	vst.idx.add.f32.msk $0xffff, v1  }
0xe4: {  	s1 =	sadd.s32 $0x40, s1;
	s19 =	sand.u32 $0xC00, s4;
	v12 =	vmul.f32 $1.442695020e+00, v13;
	(erf) = vpow2.f32 v14;
	v9 =	vsub.f32 v16, v9;
	[tilespmem:v19+s20+$0x0] =	vst.idx.add.f32.msk $0xffff, v1  }
0xe5: {  	s1 =	smov.u32 s7  }
.LBB2_41:
0xe6: {  	(erf) = vpow2.f32 v11  }
0xe7: {  	(erf) = vpow2.f32 v12  }
0xe8: {  	s0 =	sadd.s32 s19, s5;
	s1 =	sand.u32 $0x60, s1;
	(erf) = vpow2.f32 v6  }
0xe9: {  	s1 =	sadd.s32 s1, s0  }
0xea: {  	s30 =	sadd.s32 s26, s0;
	v5 =	vld.idx.msk [tilespmem:v4+s1+$0x0 ss:$0x1], $0xffff  }
0xeb: {  	s2 =	sadd.s32 s17, s0;
	v57 =	vld.idx.msk [tilespmem:v4+s30+$0x0 ss:$0x1], $0xffff  }
0xec: {  	s0 =	sadd.s32 s18, s0;
	v58 =	vld.idx.msk [tilespmem:v4+s2+$0x0 ss:$0x1], $0xffff  }
0xed: {  	v10 =	vmul.f32 @p1 v10, v10;
	v4 =	vld.idx.msk [tilespmem:v4+s0+$0x0 ss:$0x1], $0xffff  }
0xee: {  	v7 =	vmul.f32 @p1 v7, v7;
	v59 =	vpop (erf)  }
0xef: {  	v9 =	vmul.f32 @p1 v9, v9;
	v10 =	vshrl.u32 @p1 v10, $0x11;
	v5 =	vsub.f32 v5, v59;
	v60 =	vpop (erf)  }
0xf0: {  	v7 =	vshrl.u32 @p1 v7, $0x11;
	v6 =	vsub.f32 v57, v60;
	v61 =	vpop (erf)  }
0xf1: {  	v9 =	vshrl.u32 @p1 v9, $0x11;
	v5 =	vmul.f32 v5, v5;
	v11 =	vsub.f32 v58, v61;
	v62 =	vpop (erf)  }
0xf2: {  	v4 =	vsub.f32 v4, v62;
	v6 =	vmul.f32 v6, v6  }
0xf3: {  	[tilespmem:v8+s20+$0x0] =	vst.idx.add.f32.msk @p1 $0xffff, v1;
	v5 =	vshrl.u32 v5, $0x11;
	v11 =	vmul.f32 v11, v11  }
0xf4: {  	[tilespmem:v10+s20+$0x0] =	vst.idx.add.f32.msk @p1 $0xffff, v1;
	v6 =	vshrl.u32 v6, $0x11;
	v4 =	vmul.f32 v4, v4  }
0xf5: {  	s23 =	sadd.s32 $0x1, s23;
	[tilespmem:v7+s20+$0x0] =	vst.idx.add.f32.msk @p1 $0xffff, v1;
	v63 =	vshrl.u32 v11, $0x11  }
0xf6: {  	[tilespmem:v9+s20+$0x0] =	vst.idx.add.f32.msk @p1 $0xffff, v1;
	p1 =	seq.s32 s23, s25;
	v4 =	vshrl.u32 v4, $0x11  }
.Ltmp17:
0xf7: {  	_ = 	snop;
	(pc) =	sbr.rel @!p1 .LBB2_35-.Ltmp17, $4  }
0xf8: {  	[tilespmem:v5+s20+$0x0] =	vst.idx.add.f32.msk $0xffff, v1  }
0xf9: {  	[tilespmem:v6+s20+$0x0] =	vst.idx.add.f32.msk $0xffff, v1  }
0xfa: {  	[tilespmem:v63+s20+$0x0] =	vst.idx.add.f32.msk $0xffff, v1  }
0xfb: {  	[tilespmem:v4+s20+$0x0] =	vst.idx.add.f32.msk $0xffff, v1  }
.LBB2_10:
0xfc: {  	p1 =	sgt.s32 s6, $0x7FFF  }
.Ltmp18:
0xfd: {  	_ = 	snop;
	(pc) =	sbr.rel @p1 .LBB2_14-.Ltmp18, $1  }
0xfe: {  	_ =	sdelay $0x3  }
0xff: {  	s1 =	rddreg [dreg:$0x13]  }
0x100: {  	p1 =	sgt.s32 s11, s1  }
0x101: {  	s1 =	smov.u32 @p1 s11  }
0x102: {  	s0 =	rddreg [dreg:$0x15];
	s1 =	smin.u32 s1, s16  }
0x103: {  	s5 =	sadd.s32 s31, s1;
	s4 =	sadd.s32 s0, s1  }
0x104: {  	s1 =	sshll.u32 s5, $0x3;
	s4 =	sadd.s32 $0x80, s4  }
0x105: {  	s30 =	sand.u32 $0xFFFFF000, s4;
	s2 =	sand.u32 $0xC00, s1;
	s3 =	sshrl.u32 s4, $0x2  }
0x106: {  	s3 =	sand.u32 $0x380, s3;
	s0 =	sor.u32 s2, s30  }
0x107: {  	s0 =	sor.u32 s3, s0  }
0x108: {  	v4 =	vld [tilespmem:s0+$0x70]  }
0x109: {  	v5 =	vld [tilespmem:s0+$0x0]  }
0x10a: {  	v6 =	vld [tilespmem:s0+$0x10]  }
0x10b: {  	v9 =	vld [tilespmem:s0+$0x30]  }
0x10c: {  	v7 =	vld [tilespmem:s0+$0x20];
	_ =	sdelay $0x1  }
0x10d: {  	v10 =	vld [tilespmem:s0+$0x40];
	v4 =	vmul.f32 v4, v4  }
0x10e: {  	p1 =	slt.s32 s4, $0x7F80;
	v12 =	vld [tilespmem:s0+$0x50];
	v5 =	vmul.f32 v5, v5  }
.Ltmp19:
0x10f: {  	v6 =	vmul.f32 v6, v6;
	v8 =	vshrl.u32 v4, $0x11;
	v4 =	vmul.f32 v9, v9;
	v9 =	vld [tilespmem:s0+$0x60];
	(pc) =	sbr.rel @!p1 .LBB2_13-.Ltmp19, $4  }
0x110: {  	v11 =	vmul.f32 v7, v7;
	v7 =	vshrl.u32 v5, $0x11  }
0x111: {  	v6 =	vshrl.u32 v6, $0x11  }
0x112: {  	v5 =	vshrl.u32 v11, $0x11;
	v11 =	vmul.f32 v10, v10  }
0x113: {  	v10 =	vmul.f32 v12, v12;
	v4 =	vshrl.u32 v4, $0x11  }
.LBB2_12:
0x114: {  	s4 =	sadd.s32 $0x80, s4;
	v11 =	vshrl.u32 v11, $0x11;
	v9 =	vmul.f32 v9, v9;
	[tilespmem:v8+s20+$0x0] =	vst.idx.add.f32.msk $0xffff, v1;
	s1 =	sadd.s32 $0x400, s1  }
0x115: {  	s0 =	sand.u32 $0xFFFFF000, s4;
	s2 =	sand.u32 $0xC00, s1;
	s3 =	sshrl.u32 s4, $0x2;
	[tilespmem:v7+s20+$0x0] =	vst.idx.add.f32.msk $0xffff, v1;
	v10 =	vshrl.u32 v10, $0x11  }
0x116: {  	p1 =	slt.s32 s4, $0x7F80;
	s3 =	sand.u32 $0x380, s3;
	s0 =	sor.u32 s2, s0;
	[tilespmem:v6+s20+$0x0] =	vst.idx.add.f32.msk $0xffff, v1;
	v12 =	vshrl.u32 v9, $0x11  }
0x117: {  	s0 =	sor.u32 s3, s0;
	[tilespmem:v5+s20+$0x0] =	vst.idx.add.f32.msk $0xffff, v1  }
0x118: {  	v5 =	vld [tilespmem:s0+$0x70]  }
0x119: {  	v6 =	vld [tilespmem:s0+$0x0]  }
0x11a: {  	v7 =	vld [tilespmem:s0+$0x10]  }
0x11b: {  	v13 =	vld [tilespmem:s0+$0x20]  }
0x11c: {  	v14 =	vld [tilespmem:s0+$0x30]  }
0x11d: {  	v15 =	vld [tilespmem:s0+$0x40];
	v5 =	vmul.f32 v5, v5  }
0x11e: {  	v6 =	vmul.f32 v6, v6;
	v16 =	vld [tilespmem:s0+$0x50]  }
.Ltmp20:
0x11f: {  	v17 =	vmul.f32 v7, v7;
	v9 =	vld [tilespmem:s0+$0x60];
	v8 =	vshrl.u32 v5, $0x11;
	(pc) =	sbr.rel @p1 .LBB2_12-.Ltmp20, $4  }
0x120: {  	v7 =	vshrl.u32 v6, $0x11;
	v5 =	vmul.f32 v13, v13;
	[tilespmem:v4+s20+$0x0] =	vst.idx.add.f32.msk $0xffff, v1  }
0x121: {  	v6 =	vshrl.u32 v17, $0x11;
	v4 =	vmul.f32 v14, v14;
	[tilespmem:v11+s20+$0x0] =	vst.idx.add.f32.msk $0xffff, v1  }
0x122: {  	v5 =	vshrl.u32 v5, $0x11;
	v11 =	vmul.f32 v15, v15;
	[tilespmem:v10+s20+$0x0] =	vst.idx.add.f32.msk $0xffff, v1  }
0x123: {  	v4 =	vshrl.u32 v4, $0x11;
	v10 =	vmul.f32 v16, v16;
	[tilespmem:v12+s20+$0x0] =	vst.idx.add.f32.msk $0xffff, v1  }
.LBB2_13:
0x124: {  	_ =	sdelay $0x3  }
0x125: {  	v11 =	vshrl.u32 v11, $0x11;
	v9 =	vmul.f32 v9, v9;
	[tilespmem:v8+s20+$0x0] =	vst.idx.add.f32.msk $0xffff, v1  }
0x126: {  	[tilespmem:v7+s20+$0x0] =	vst.idx.add.f32.msk $0xffff, v1;
	v62 =	vshrl.u32 v10, $0x11  }
0x127: {  	[tilespmem:v6+s20+$0x0] =	vst.idx.add.f32.msk $0xffff, v1;
	v63 =	vshrl.u32 v9, $0x11  }
0x128: {  	[tilespmem:v5+s20+$0x0] =	vst.idx.add.f32.msk $0xffff, v1  }
0x129: {  	[tilespmem:v4+s20+$0x0] =	vst.idx.add.f32.msk $0xffff, v1  }
0x12a: {  	[tilespmem:v11+s20+$0x0] =	vst.idx.add.f32.msk $0xffff, v1  }
0x12b: {  	[tilespmem:v62+s20+$0x0] =	vst.idx.add.f32.msk $0xffff, v1  }
0x12c: {  	[tilespmem:v63+s20+$0x0] =	vst.idx.add.f32.msk $0xffff, v1  }
.LBB2_14:
0x12d: {  	p1 =	seq.s32 s8, $0x3;
	s0 =	rddreg [dreg:$0x14]  }
0x12e: {  	s0 =	sadd.s32 @!p1 s12, s0  }
0x12f: {  	s1 =	rddreg [dreg:$0x0];
	s0 =	sshrl.u32 @!p1 s0, $0x3  }
0x130: {  	s29 =	rddreg [dreg:$0x11];
	s0 =	sadd.s32 @!p1 s1, s0;
	s1 =	simm.s32 @!p1 $0x0  }
0x131: {  	[tilespmem:s1], [sflag:$0x1] =	stream.linear.gather @!p1 [hbm4b:s0+s1], $0x8000, $0x38;
	[tilespmem:$0x14480] =	vst v63  }
0x132: {  	s5 =	sadd.s32 $0x10000, s12;
	s0 =	smax.u32 s10, s29  }
0x133: {  	s12 =	smin.u32 s5, s0  }
0x134: {  	s24 =	ssub.s32 s12, s10  }
0x135: {  	p1 =	slt.s32 s24, $0x1  }
.Ltmp21:
0x136: {  	_ = 	snop;
	(pc) =	sbr.rel @p1 .LBB2_18-.Ltmp21, $4  }
0x137: {  	s30 =	simm.s32 $0x2  }
0x138: {  	_ =	swait.ge [sflag:s30], $0x8000  }
0x139: {  	[sflag:s30] =	ssyncset.done $0x0  }
0x13a: {  	[sflag:s30] =	ssyncadd.s32 $0xFFFF8000  }
0x13b: {  	s1 =	simm.s32 $0x0  }
0x13c: {  	s0 =	sand.u32 $0x7FFFF000, s1;
	s2 =	sand.u32 $0xC00, s1  }
0x13d: {  	s1 =	sand.u32 $0x380, s1;
	s0 =	sor.u32 s2, s0  }
0x13e: {  	s0 =	sor.u32 s1, s0  }
0x13f: {  	v4 =	vld [tilespmem:s0+$0x8070]  }
0x140: {  	v5 =	vld [tilespmem:s0+$0x8000]  }
0x141: {  	v6 =	vld [tilespmem:s0+$0x8010]  }
0x142: {  	v7 =	vld [tilespmem:s0+$0x8020]  }
0x143: {  	v8 =	vld [tilespmem:s0+$0x8030]  }
0x144: {  	v4 =	vmul.f32 v4, v4  }
0x145: {  	v9 =	vld [tilespmem:s0+$0x8040]  }
0x146: {  	v10 =	vld [tilespmem:s0+$0x8050];
	v12 =	vshrl.u32 v4, $0x11;
	v4 =	vmul.f32 v5, v5  }
0x147: {  	p1 =	sgt.s32 s24, $0x80;
	v11 =	vld [tilespmem:s0+$0x8060];
	v5 =	vmul.f32 v6, v6  }
.Ltmp22:
0x148: {  	v13 =	vmul.f32 v8, v8;
	v6 =	vmul.f32 v7, v7;
	v8 =	vshrl.u32 v4, $0x11;
	(pc) =	sbr.rel @!p1 .LBB2_17-.Ltmp22, $4  }
0x149: {  	v7 =	vshrl.u32 v5, $0x11  }
0x14a: {  	v9 =	vmul.f32 v9, v9;
	v6 =	vshrl.u32 v6, $0x11  }
0x14b: {  	v10 =	vmul.f32 v10, v10  }
0x14c: {  	s4 =	simm.s32 $0x20;
	s6 =	simm.s32 $0x400;
	s1 =	simm.s32 $0x80;
	v4 =	vshrl.u32 v13, $0x11;
	v5 =	vshrl.u32 v9, $0x11;
	v9 =	vmul.f32 v11, v11;
	[tilespmem:v12+s20+$0x0] =	vst.idx.add.f32.msk $0xffff, v1  }
.LBB2_16:
0x14d: {  	s0 =	sand.u32 $0x7FFFF000, s1;
	s2 =	sand.u32 $0xC00, s6;
	s1 =	sadd.s32 $0x80, s1;
	[tilespmem:v8+s20+$0x0] =	vst.idx.add.f32.msk $0xffff, v1;
	v10 =	vshrl.u32 v10, $0x11  }
0x14e: {  	s3 =	sand.u32 $0x380, s4;
	s0 =	sor.u32 s2, s0;
	p1 =	slt.s32 s1, s24;
	[tilespmem:v7+s20+$0x0] =	vst.idx.add.f32.msk $0xffff, v1;
	v9 =	vshrl.u32 v9, $0x11  }
0x14f: {  	s0 =	sor.u32 s3, s0;
	[tilespmem:v6+s20+$0x0] =	vst.idx.add.f32.msk $0xffff, v1  }
0x150: {  	v6 =	vld [tilespmem:s0+$0x8070]  }
0x151: {  	v7 =	vld [tilespmem:s0+$0x8000]  }
0x152: {  	v8 =	vld [tilespmem:s0+$0x8010]  }
0x153: {  	v11 =	vld [tilespmem:s0+$0x8020]  }
0x154: {  	v12 =	vld [tilespmem:s0+$0x8030]  }
0x155: {  	v13 =	vld [tilespmem:s0+$0x8040];
	v6 =	vmul.f32 v6, v6  }
0x156: {  	v7 =	vmul.f32 v7, v7;
	v14 =	vld [tilespmem:s0+$0x8050]  }
0x157: {  	v15 =	vmul.f32 v8, v8;
	v16 =	vld [tilespmem:s0+$0x8060];
	v17 =	vshrl.u32 v6, $0x11  }
.Ltmp23:
0x158: {  	v8 =	vshrl.u32 v7, $0x11;
	v6 =	vmul.f32 v11, v11;
	[tilespmem:v4+s20+$0x0] =	vst.idx.add.f32.msk $0xffff, v1;
	(pc) =	sbr.rel @p1 .LBB2_16-.Ltmp23, $4  }
0x159: {  	v7 =	vshrl.u32 v15, $0x11;
	v4 =	vmul.f32 v12, v12;
	[tilespmem:v5+s20+$0x0] =	vst.idx.add.f32.msk $0xffff, v1  }
0x15a: {  	v6 =	vshrl.u32 v6, $0x11;
	v5 =	vmul.f32 v13, v13;
	[tilespmem:v10+s20+$0x0] =	vst.idx.add.f32.msk $0xffff, v1  }
0x15b: {  	v4 =	vshrl.u32 v4, $0x11;
	v10 =	vmul.f32 v14, v14;
	[tilespmem:v9+s20+$0x0] =	vst.idx.add.f32.msk $0xffff, v1  }
0x15c: {  	s4 =	sadd.s32 $0x20, s4;
	s6 =	sadd.s32 $0x400, s6;
	v5 =	vshrl.u32 v5, $0x11;
	v9 =	vmul.f32 v16, v16;
	[tilespmem:v17+s20+$0x0] =	vst.idx.add.f32.msk $0xffff, v1  }
.LBB2_17:
0x15d: {  	_ =	sdelay $0x3  }
0x15e: {  	[tilespmem:v8+s20+$0x0] =	vst.idx.add.f32.msk $0xffff, v1;
	v62 =	vshrl.u32 v10, $0x11  }
0x15f: {  	[tilespmem:v7+s20+$0x0] =	vst.idx.add.f32.msk $0xffff, v1;
	v63 =	vshrl.u32 v9, $0x11  }
0x160: {  	[tilespmem:v6+s20+$0x0] =	vst.idx.add.f32.msk $0xffff, v1  }
0x161: {  	[tilespmem:v4+s20+$0x0] =	vst.idx.add.f32.msk $0xffff, v1  }
0x162: {  	[tilespmem:v5+s20+$0x0] =	vst.idx.add.f32.msk $0xffff, v1  }
0x163: {  	[tilespmem:v62+s20+$0x0] =	vst.idx.add.f32.msk $0xffff, v1  }
0x164: {  	[tilespmem:v63+s20+$0x0] =	vst.idx.add.f32.msk $0xffff, v1  }
.LBB2_18:
0x165: {  	s0 =	rddreg [dreg:$0x13]  }
0x166: {  	s0 =	smax.u32 s10, s0  }
0x167: {  	s0 =	smin.u32 s5, s0  }
0x168: {  	s9 =	ssub.s32 s0, s10  }
0x169: {  	s0 =	ssub.s32 s9, s24  }
0x16a: {  	s6 =	sshra.s32 s0, $0x9  }
0x16b: {  	p1 =	sgt.s32 s6, $0x0  }
.Ltmp24:
0x16c: {  	_ = 	snop;
	(pc) =	sbr.rel @p1 .LBB2_42-.Ltmp24, $4  }
.Ltmp25:
0x16d: {  	_ = 	snop;
	(pc) =	sbr.rel @!p1 .LBB2_19-.Ltmp25, $4  }
0x16e: {  	_ = 	snop  }
0x16f: {  	_ = 	snop  }
0x170: {  	s22 =	simm.s32 $0x0;
	s10 =	simm.s32 $0x0  }
0x171: {  	_ = 	snop  }
.LBB2_43:
.Ltmp26:
0x172: {  	(pc) =	sbr.rel .LBB2_48-.Ltmp26, $2  }
0x173: {  	_ =	sdelay $0x2  }
0x174: {  	_ = 	snop  }
.LBB2_45:
.Ltmp27:
0x175: {  	(pc) =	sbr.rel .LBB2_48-.Ltmp27, $2  }
0x176: {  	_ =	sdelay $0x2  }
0x177: {  	s1 =	simm.s32 $0x60  }
.LBB2_42:
0x178: {  	s0 =	sshll.u32 s22, $0x9  }
0x179: {  	s1 =	sadd.s32 s12, s0  }
0x17a: {  	s2 =	sshrl.u32 s1, $0x9;
	s1 =	simm.s32 $0x20  }
0x17b: {  	s3 =	simm.s32 $0x30;
	s4 =	simm.s32 $0x0;
	s2 =	scvt.s32.f32 s2;
	v4 =	vor.u32 s1, v2  }
0x17c: {  	s7 =	simm.s32 $0x10;
	v5 =	vor.u32 s3, v2;
	v6 =	vor.u32 s4, v2;
	v4 =	vcvt.s32.f32 v4  }
0x17d: {  	v7 =	vor.u32 s7, v2;
	v5 =	vcvt.s32.f32 v5;
	v6 =	vcvt.s32.f32 v6;
	s2 =	ssub.f32 s2, s28  }
0x17e: {  	v7 =	vcvt.s32.f32 v7;
	v4 =	vsub.f32 v4, v3  }
0x17f: {  	v8 =	vsub.f32 v5, v3;
	v6 =	vsub.f32 v6, v3;
	s2 =	smul.f32 s2, s2  }
0x180: {  	v7 =	vsub.f32 v7, v3;
	v4 =	vmul.f32 v4, v4  }
0x181: {  	v8 =	vmul.f32 v8, v8;
	v6 =	vmul.f32 v6, v6;
	v5 =	vmov s2  }
0x182: {  	v7 =	vmul.f32 v7, v7;
	v4 =	vadd.f32 v4, v5  }
0x183: {  	p2 =	por $0x1, $0x1;
	s0 =	sadd.s32 s24, s0;
	v8 =	vadd.f32 v8, v5;
	v6 =	vadd.f32 v6, v5  }
.Ltmp28:
0x184: {  	s30 =	sshrl.u32 s0, $0x2;
	v7 =	vadd.f32 v7, v5;
	v4 =	vmul.f32 $-3.125000000e-02, v4;
	(pc) =	sbr.rel @!p2 .LBB2_43-.Ltmp28, $4  }
0x185: {  	s2 =	sand.u32 $0x380, s30;
	v8 =	vmul.f32 $-3.125000000e-02, v8;
	v6 =	vmul.f32 $-3.125000000e-02, v6  }
0x186: {  	s19 =	sand.u32 $0xC00, s10;
	p1 =	por $0x0, $0x0;
	v7 =	vmul.f32 $-3.125000000e-02, v7;
	v9 =	vmul.f32 $1.442695020e+00, v4;
	v4 =	vmov s2  }
0x187: {  	s23 =	sand.u32 $0x40, s4;
	s17 =	sand.u32 $0x50, s7;
	s0 =	sand.u32 $0xFFFFF000, s0;
	v11 =	vmul.f32 $1.442695020e+00, v6;
	v6 =	vmul.f32 $1.442695020e+00, v8  }
0x188: {  	s18 =	sand.u32 $0x70, s3;
	s4 =	simm.s32 $0x70;
	s5 =	sadd.s32 $0x8000, s0;
	v12 =	vmul.f32 $1.442695020e+00, v7;
	(erf) = vpow2.f32 v9  }
0x189: {  	v7 =	vor.u32 s4, v2  }
0x18a: {  	v7 =	vcvt.s32.f32 v7  }
0x18b: {  	s7 =	simm.s32 $0x60;
	(erf) = vpow2.f32 v11  }
0x18c: {  	s0 =	simm.s32 $0x40;
	s3 =	sadd.s32 s19, s5;
	s1 =	sand.u32 $0x60, s1;
	v8 =	vor.u32 s7, v2;
	v7 =	vsub.f32 v7, v3  }
0x18d: {  	s2 =	simm.s32 $0x50;
	(erf) = vpow2.f32 v12;
	v9 =	vor.u32 s0, v2;
	s1 =	sadd.s32 s1, s3;
	v8 =	vcvt.s32.f32 v8  }
0x18e: {  	v10 =	vor.u32 s2, v2;
	v9 =	vcvt.s32.f32 v9;
	v11 =	vld.idx.msk [tilespmem:v4+s1+$0x0 ss:$0x1], $0xffff;
	v7 =	vmul.f32 v7, v7  }
0x18f: {  	s29 =	sadd.s32 s23, s3;
	v10 =	vcvt.s32.f32 v10;
	v8 =	vsub.f32 v8, v3  }
0x190: {  	(erf) = vpow2.f32 v6;
	v6 =	vsub.f32 v9, v3;
	v9 =	vld.idx.msk [tilespmem:v4+s29+$0x0 ss:$0x1], $0xffff;
	v7 =	vadd.f32 v7, v5  }
0x191: {  	v10 =	vsub.f32 v10, v3  }
0x192: {  	s17 =	sadd.s32 s17, s3;
	v8 =	vmul.f32 v8, v8;
	v6 =	vmul.f32 v6, v6;
	v13 =	vpop (erf)  }
0x193: {  	v12 =	vld.idx.msk [tilespmem:v4+s17+$0x0 ss:$0x1], $0xffff;
	v10 =	vmul.f32 v10, v10;
	v11 =	vsub.f32 v11, v13  }
0x194: {  	s30 =	sadd.s32 s18, s3;
	v8 =	vadd.f32 v8, v5;
	v6 =	vadd.f32 v6, v5;
	v13 =	vmul.f32 $-3.125000000e-02, v7;
	v7 =	vpop (erf)  }
0x195: {  	p2 =	por $0x1, $0x1;
	v14 =	vld.idx.msk [tilespmem:v4+s30+$0x0 ss:$0x1], $0xffff;
	v15 =	vadd.f32 v10, v5;
	v10 =	vsub.f32 v9, v7;
	v9 =	vmul.f32 v11, v11  }
.Ltmp29:
0x196: {  	v8 =	vmul.f32 $-3.125000000e-02, v8;
	(pc) =	sbr.rel @!p2 .LBB2_45-.Ltmp29, $4  }
0x197: {  	v6 =	vmul.f32 $-3.125000000e-02, v6;
	v7 =	vpop (erf)  }
0x198: {  	p1 =	por $0x1, $0x1;
	v7 =	vsub.f32 v12, v7;
	v12 =	vmul.f32 $-3.125000000e-02, v15;
	v15 =	vmul.f32 $1.442695020e+00, v8  }
0x199: {  	s23 =	sand.u32 $0x40, s0;
	s18 =	sand.u32 $0x70, s4;
	s4 =	simm.s32 $0x200;
	v11 =	vmul.f32 $1.442695020e+00, v6;
	v6 =	vmul.f32 $1.442695020e+00, v13;
	v8 =	vshrl.u32 v9, $0x11;
	v9 =	vpop (erf)  }
0x19a: {  	s17 =	sand.u32 $0x50, s2;
	s19 =	sand.u32 $0xC00, s4;
	s1 =	simm.s32 $0xB0;
	v12 =	vmul.f32 $1.442695020e+00, v12;
	(erf) = vpow2.f32 v15;
	v9 =	vsub.f32 v14, v9  }
.LBB2_46:
0x19b: {  	v13 =	vor.u32 s1, v2;
	s0 =	sadd.s32 s19, s5;
	s2 =	sand.u32 $0x60, s7;
	s7 =	sadd.s32 $0xFFFFFFF0, s1;
	(erf) = vpow2.f32 v11;
	v10 =	vmul.f32 v10, v10  }
0x19c: {  	s3 =	sadd.s32 $0xFFFFFFD0, s1;
	s19 =	sadd.s32 $0xFFFFFFE0, s1;
	v11 =	vor.u32 s7, v2;
	v13 =	vcvt.s32.f32 v13;
	s2 =	sadd.s32 s2, s0;
	(erf) = vpow2.f32 v12  }
0x19d: {  	s21 =	sand.u32 $0x40, s3;
	v12 =	vor.u32 s3, v2;
	s25 =	sand.u32 $0x50, s19;
	v14 =	vor.u32 s19, v2;
	s19 =	sand.u32 $0x70, s1;
	v11 =	vcvt.s32.f32 v11;
	v15 =	vld.idx.msk [tilespmem:v4+s2+$0x0 ss:$0x1], $0xffff  }
0x19e: {  	s26 =	sadd.s32 s17, s0;
	v12 =	vcvt.s32.f32 v12;
	v14 =	vcvt.s32.f32 v14;
	s2 =	sadd.s32 s23, s0;
	s0 =	sadd.s32 s18, s0;
	v13 =	vsub.f32 v13, v3;
	[tilespmem:v8+s20+$0x0] =	vst.idx.add.f32.msk $0xffff, v1  }
0x19f: {  	p2 =	slt.u32 s3, $0x1C0;
	s23 =	smov.u32 s21;
	s17 =	smov.u32 s25;
	v8 =	vsub.f32 v11, v3;
	v11 =	vld.idx.msk [tilespmem:v4+s2+$0x0 ss:$0x1], $0xffff;
	(erf) = vpow2.f32 v6;
	v6 =	vmul.f32 v7, v7  }
0x1a0: {  	s18 =	smov.u32 s19;
	v7 =	vsub.f32 v12, v3;
	v12 =	vsub.f32 v14, v3;
	v18 =	vmul.f32 v13, v13;
	v14 =	vld.idx.msk [tilespmem:v4+s26+$0x0 ss:$0x1], $0xffff  }
0x1a1: {  	v9 =	vmul.f32 v9, v9;
	v17 =	vshrl.u32 v10, $0x11;
	v8 =	vmul.f32 v8, v8;
	v16 =	vld.idx.msk [tilespmem:v4+s0+$0x0 ss:$0x1], $0xffff  }
0x1a2: {  	v20 =	vmul.f32 v7, v7;
	v10 =	vmul.f32 v12, v12;
	v12 =	vadd.f32 v18, v5  }
0x1a3: {  	v19 =	vshrl.u32 v9, $0x11;
	v18 =	vshrl.u32 v6, $0x11;
	v8 =	vadd.f32 v8, v5;
	v13 =	vpop (erf)  }
0x1a4: {  	v6 =	vadd.f32 v20, v5;
	v9 =	vmul.f32 $-3.125000000e-02, v12;
	v12 =	vsub.f32 v15, v13;
	v7 =	vpop (erf)  }
.Ltmp30:
0x1a5: {  	v13 =	vadd.f32 v10, v5;
	v8 =	vmul.f32 $-3.125000000e-02, v8;
	v10 =	vsub.f32 v11, v7;
	v7 =	vpop (erf);
	(pc) =	sbr.rel @p2 .LBB2_46-.Ltmp30, $4  }
0x1a6: {  	v6 =	vmul.f32 $-3.125000000e-02, v6;
	v7 =	vsub.f32 v14, v7;
	v12 =	vmul.f32 v12, v12;
	[tilespmem:v17+s20+$0x0] =	vst.idx.add.f32.msk $0xffff, v1  }
0x1a7: {  	v13 =	vmul.f32 $-3.125000000e-02, v13;
	v14 =	vmul.f32 $1.442695020e+00, v8  }
0x1a8: {  	s4 =	sadd.s32 $0x200, s4;
	v11 =	vmul.f32 $1.442695020e+00, v6;
	v6 =	vmul.f32 $1.442695020e+00, v9;
	v8 =	vshrl.u32 v12, $0x11;
	v9 =	vpop (erf);
	[tilespmem:v18+s20+$0x0] =	vst.idx.add.f32.msk $0xffff, v1  }
0x1a9: {  	s1 =	sadd.s32 $0x40, s1;
	s19 =	sand.u32 $0xC00, s4;
	v12 =	vmul.f32 $1.442695020e+00, v13;
	(erf) = vpow2.f32 v14;
	v9 =	vsub.f32 v16, v9;
	[tilespmem:v19+s20+$0x0] =	vst.idx.add.f32.msk $0xffff, v1  }
0x1aa: {  	s1 =	smov.u32 s7  }
.LBB2_48:
0x1ab: {  	(erf) = vpow2.f32 v11  }
0x1ac: {  	(erf) = vpow2.f32 v12  }
0x1ad: {  	s0 =	sadd.s32 s19, s5;
	s1 =	sand.u32 $0x60, s1;
	(erf) = vpow2.f32 v6  }
0x1ae: {  	s1 =	sadd.s32 s1, s0  }
0x1af: {  	s30 =	sadd.s32 s23, s0;
	v5 =	vld.idx.msk [tilespmem:v4+s1+$0x0 ss:$0x1], $0xffff  }
0x1b0: {  	s2 =	sadd.s32 s17, s0;
	v57 =	vld.idx.msk [tilespmem:v4+s30+$0x0 ss:$0x1], $0xffff  }
0x1b1: {  	s0 =	sadd.s32 s18, s0;
	v58 =	vld.idx.msk [tilespmem:v4+s2+$0x0 ss:$0x1], $0xffff  }
0x1b2: {  	v10 =	vmul.f32 @p1 v10, v10;
	v4 =	vld.idx.msk [tilespmem:v4+s0+$0x0 ss:$0x1], $0xffff  }
0x1b3: {  	v7 =	vmul.f32 @p1 v7, v7;
	v59 =	vpop (erf)  }
0x1b4: {  	v9 =	vmul.f32 @p1 v9, v9;
	v10 =	vshrl.u32 @p1 v10, $0x11;
	v5 =	vsub.f32 v5, v59;
	v60 =	vpop (erf)  }
0x1b5: {  	v7 =	vshrl.u32 @p1 v7, $0x11;
	v6 =	vsub.f32 v57, v60;
	v61 =	vpop (erf)  }
0x1b6: {  	v9 =	vshrl.u32 @p1 v9, $0x11;
	v5 =	vmul.f32 v5, v5;
	v11 =	vsub.f32 v58, v61;
	v62 =	vpop (erf)  }
0x1b7: {  	v4 =	vsub.f32 v4, v62;
	v6 =	vmul.f32 v6, v6  }
0x1b8: {  	[tilespmem:v8+s20+$0x0] =	vst.idx.add.f32.msk @p1 $0xffff, v1;
	v5 =	vshrl.u32 v5, $0x11;
	v11 =	vmul.f32 v11, v11  }
0x1b9: {  	[tilespmem:v10+s20+$0x0] =	vst.idx.add.f32.msk @p1 $0xffff, v1;
	v6 =	vshrl.u32 v6, $0x11;
	v4 =	vmul.f32 v4, v4  }
0x1ba: {  	s22 =	sadd.s32 $0x1, s22;
	[tilespmem:v7+s20+$0x0] =	vst.idx.add.f32.msk @p1 $0xffff, v1;
	v63 =	vshrl.u32 v11, $0x11  }
0x1bb: {  	[tilespmem:v9+s20+$0x0] =	vst.idx.add.f32.msk @p1 $0xffff, v1;
	p1 =	seq.s32 s22, s6;
	v4 =	vshrl.u32 v4, $0x11  }
.Ltmp31:
0x1bc: {  	_ = 	snop;
	(pc) =	sbr.rel @!p1 .LBB2_42-.Ltmp31, $4  }
0x1bd: {  	[tilespmem:v5+s20+$0x0] =	vst.idx.add.f32.msk $0xffff, v1  }
0x1be: {  	[tilespmem:v6+s20+$0x0] =	vst.idx.add.f32.msk $0xffff, v1  }
0x1bf: {  	[tilespmem:v63+s20+$0x0] =	vst.idx.add.f32.msk $0xffff, v1  }
0x1c0: {  	[tilespmem:v4+s20+$0x0] =	vst.idx.add.f32.msk $0xffff, v1  }
.LBB2_19:
0x1c1: {  	p1 =	sgt.s32 s9, $0x7FFF  }
.Ltmp32:
0x1c2: {  	_ = 	snop;
	(pc) =	sbr.rel @p1 .LBB2_23-.Ltmp32, $1  }
0x1c3: {  	_ =	sdelay $0x3  }
0x1c4: {  	s0 =	rddreg [dreg:$0x13]  }
0x1c5: {  	p1 =	sgt.s32 s16, s0  }
0x1c6: {  	s0 =	smov.u32 @p1 s16  }
0x1c7: {  	s1 =	smov.u32 s13;
	p1 =	slt.s32 s0, s13  }
0x1c8: {  	s1 =	smov.u32 @p1 s0  }
0x1c9: {  	s0 =	sadd.s32 s15, s1;
	s4 =	sadd.s32 s14, s1  }
0x1ca: {  	s1 =	sshll.u32 s0, $0x3;
	s4 =	sadd.s32 $0x80, s4  }
0x1cb: {  	s30 =	sand.u32 $0xFFFFF000, s4;
	s2 =	sand.u32 $0xC00, s1;
	s3 =	sshrl.u32 s4, $0x2  }
0x1cc: {  	s3 =	sand.u32 $0x380, s3;
	s0 =	sor.u32 s2, s30  }
0x1cd: {  	s0 =	sor.u32 s3, s0  }
0x1ce: {  	v4 =	vld [tilespmem:s0+$0x8070]  }
0x1cf: {  	v5 =	vld [tilespmem:s0+$0x8000]  }
0x1d0: {  	v6 =	vld [tilespmem:s0+$0x8010]  }
0x1d1: {  	v9 =	vld [tilespmem:s0+$0x8030]  }
0x1d2: {  	v7 =	vld [tilespmem:s0+$0x8020];
	_ =	sdelay $0x1  }
0x1d3: {  	v10 =	vld [tilespmem:s0+$0x8040];
	v4 =	vmul.f32 v4, v4  }
0x1d4: {  	p1 =	slt.s32 s4, $0x7F80;
	v12 =	vld [tilespmem:s0+$0x8050];
	v5 =	vmul.f32 v5, v5  }
.Ltmp33:
0x1d5: {  	v6 =	vmul.f32 v6, v6;
	v8 =	vshrl.u32 v4, $0x11;
	v4 =	vmul.f32 v9, v9;
	v9 =	vld [tilespmem:s0+$0x8060];
	(pc) =	sbr.rel @!p1 .LBB2_22-.Ltmp33, $4  }
0x1d6: {  	v11 =	vmul.f32 v7, v7;
	v7 =	vshrl.u32 v5, $0x11  }
0x1d7: {  	v6 =	vshrl.u32 v6, $0x11  }
0x1d8: {  	v5 =	vshrl.u32 v11, $0x11;
	v11 =	vmul.f32 v10, v10  }
0x1d9: {  	v10 =	vmul.f32 v12, v12;
	v4 =	vshrl.u32 v4, $0x11  }
.LBB2_21:
0x1da: {  	s4 =	sadd.s32 $0x80, s4;
	v11 =	vshrl.u32 v11, $0x11;
	v9 =	vmul.f32 v9, v9;
	[tilespmem:v8+s20+$0x0] =	vst.idx.add.f32.msk $0xffff, v1;
	s1 =	sadd.s32 $0x400, s1  }
0x1db: {  	v10 =	vshrl.u32 v10, $0x11;
	s0 =	sand.u32 $0xFFFFF000, s4;
	s2 =	sand.u32 $0xC00, s1;
	s3 =	sshrl.u32 s4, $0x2;
	[tilespmem:v7+s20+$0x0] =	vst.idx.add.f32.msk $0xffff, v1  }
0x1dc: {  	p1 =	slt.s32 s4, $0x7F80;
	s3 =	sand.u32 $0x380, s3;
	s0 =	sor.u32 s2, s0;
	[tilespmem:v6+s20+$0x0] =	vst.idx.add.f32.msk $0xffff, v1;
	v12 =	vshrl.u32 v9, $0x11  }
0x1dd: {  	s0 =	sor.u32 s3, s0;
	[tilespmem:v5+s20+$0x0] =	vst.idx.add.f32.msk $0xffff, v1  }
0x1de: {  	v5 =	vld [tilespmem:s0+$0x8070]  }
0x1df: {  	v6 =	vld [tilespmem:s0+$0x8000]  }
0x1e0: {  	v7 =	vld [tilespmem:s0+$0x8010]  }
0x1e1: {  	v13 =	vld [tilespmem:s0+$0x8020]  }
0x1e2: {  	v14 =	vld [tilespmem:s0+$0x8030]  }
0x1e3: {  	v15 =	vld [tilespmem:s0+$0x8040];
	v5 =	vmul.f32 v5, v5  }
0x1e4: {  	v6 =	vmul.f32 v6, v6;
	v16 =	vld [tilespmem:s0+$0x8050]  }
.Ltmp34:
0x1e5: {  	v17 =	vmul.f32 v7, v7;
	v9 =	vld [tilespmem:s0+$0x8060];
	v8 =	vshrl.u32 v5, $0x11;
	(pc) =	sbr.rel @p1 .LBB2_21-.Ltmp34, $4  }
0x1e6: {  	v7 =	vshrl.u32 v6, $0x11;
	v5 =	vmul.f32 v13, v13;
	[tilespmem:v4+s20+$0x0] =	vst.idx.add.f32.msk $0xffff, v1  }
0x1e7: {  	v6 =	vshrl.u32 v17, $0x11;
	v4 =	vmul.f32 v14, v14;
	[tilespmem:v11+s20+$0x0] =	vst.idx.add.f32.msk $0xffff, v1  }
0x1e8: {  	v5 =	vshrl.u32 v5, $0x11;
	v11 =	vmul.f32 v15, v15;
	[tilespmem:v10+s20+$0x0] =	vst.idx.add.f32.msk $0xffff, v1  }
0x1e9: {  	v4 =	vshrl.u32 v4, $0x11;
	v10 =	vmul.f32 v16, v16;
	[tilespmem:v12+s20+$0x0] =	vst.idx.add.f32.msk $0xffff, v1  }
.Ltmp35:
0x1ea: {  	_ = 	snop;
	(pc) =	sbr.rel .LBB2_22-.Ltmp35, $1  }
0x1eb: {  	_ =	sdelay $0x3  }
.LBB2_25:
0x1ec: {  	s0 =	simm.s32 $0x0;
	s1 =	rddreg [dreg:$0x6]  }
0x1ed: {  	[tilespmem:s0], [sflag:$0x1] =	stream.linear.gather [hbm4b:s1+s0], $0x8000, $0x38;
	[tilespmem:$0x14480] =	vst v63  }
0x1ee: {  	s0 =	simm.s32 $0x10040  }
0x1ef: {  	[tilespmem:s0+$0xFFFFFFC0] =	vst v0  }
0x1f0: {  	[tilespmem:s0+$0x30] =	vst v0  }
0x1f1: {  	[tilespmem:s0+$0x20] =	vst v0  }
0x1f2: {  	[tilespmem:s0+$0x10] =	vst v0  }
0x1f3: {  	[tilespmem:s0+$0x0] =	vst v0  }
0x1f4: {  	[tilespmem:s0+$0xFFFFFFF0] =	vst v0  }
0x1f5: {  	s1 =	simm.s32 $0x0;
	[tilespmem:s0+$0xFFFFFFE0] =	vst v0  }
.LBB2_26:
0x1f6: {  	s1 =	sadd.s32 $0x80, s1;
	[tilespmem:s0+$0xFFFFFFD0] =	vst v0;
	s0 =	sadd.s32 $0x80, s0  }
0x1f7: {  	[tilespmem:s0+$0xFFFFFFC0] =	vst v0;
	p0 =	slt.u32 s1, $0x3F80  }
0x1f8: {  	[tilespmem:s0+$0x30] =	vst v0  }
.Ltmp36:
0x1f9: {  	[tilespmem:s0+$0x20] =	vst v0;
	(pc) =	sbr.rel @p0 .LBB2_26-.Ltmp36, $4  }
0x1fa: {  	[tilespmem:s0+$0x10] =	vst v0  }
0x1fb: {  	[tilespmem:s0+$0x0] =	vst v0  }
0x1fc: {  	[tilespmem:s0+$0xFFFFFFF0] =	vst v0  }
0x1fd: {  	[tilespmem:s0+$0xFFFFFFE0] =	vst v0  }
0x1fe: {  	[tilespmem:s0+$0xFFFFFFD0] =	vst v0  }
0x1ff: {  	s0 =	rddreg [dreg:$0xe]  }
0x200: {  	v3 =	vld [tilespmem:s0+$0x14000];
	_ =	sdelay $0x4  }
0x201: {  	(v2sf) =	vpush v3, $0x1;
	_ =	sdelay $0xe  }
0x202: {  	s0 =	spop (v2sf)  }
0x203: {  	s5 =	scvt.f32.s32 s0;
	_ =	sdelay $0x1  }
0x204: {  	s1 =	sadd.s32 $0xFFFFFFE6, s5  }
0x205: {  	p0 =	sgt.s32 s1, $0x0  }
0x206: {  	s1 =	simm.s32 @!p0 $0x0  }
0x207: {  	s1 =	smin.u32 s1, $0x200  }
0x208: {  	s22 =	rddreg [dreg:$0x4];
	s1 =	sshll.u32 s1, $0x9  }
0x209: {  	s23 =	rddreg [dreg:$0x7];
	s1 =	smax.u32 s22, s1  }
0x20a: {  	s2 =	smin.u32 s23, s1  }
0x20b: {  	s3 =	ssub.s32 s2, s22  }
0x20c: {  	p0 =	slt.s32 s3, $0x1  }
.Ltmp37:
0x20d: {  	_ = 	snop;
	(pc) =	sbr.rel @p0 .LBB2_31-.Ltmp37, $4  }
0x20e: {  	s31 =	simm.s32 $0x1  }
0x20f: {  	_ =	swait.ge [sflag:s31], $0x8000  }
0x210: {  	[sflag:s31] =	ssyncset.done $0x0  }
0x211: {  	[sflag:s31] =	ssyncadd.s32 $0xFFFF8000  }
0x212: {  	s1 =	simm.s32 $0x0  }
0x213: {  	s4 =	sand.u32 $0x7FFFF000, s1;
	s6 =	sand.u32 $0xC00, s1  }
0x214: {  	s1 =	sand.u32 $0x380, s1;
	s4 =	sor.u32 s6, s4  }
0x215: {  	s1 =	sor.u32 s1, s4  }
0x216: {  	v4 =	vld [tilespmem:s1+$0x70]  }
0x217: {  	v5 =	vld [tilespmem:s1+$0x0]  }
0x218: {  	v6 =	vld [tilespmem:s1+$0x10]  }
0x219: {  	v7 =	vld [tilespmem:s1+$0x20]  }
0x21a: {  	v8 =	vld [tilespmem:s1+$0x30]  }
0x21b: {  	v4 =	vmul.f32 v4, v4  }
0x21c: {  	v9 =	vld [tilespmem:s1+$0x40]  }
0x21d: {  	v10 =	vld [tilespmem:s1+$0x50];
	v12 =	vshrl.u32 v4, $0x11;
	v4 =	vmul.f32 v5, v5  }
0x21e: {  	p0 =	sgt.s32 s3, $0x80;
	v11 =	vld [tilespmem:s1+$0x60];
	v5 =	vmul.f32 v6, v6  }
.Ltmp38:
0x21f: {  	v13 =	vmul.f32 v8, v8;
	v6 =	vmul.f32 v7, v7;
	v8 =	vshrl.u32 v4, $0x11;
	(pc) =	sbr.rel @!p0 .LBB2_30-.Ltmp38, $4  }
0x220: {  	v7 =	vshrl.u32 v5, $0x11  }
0x221: {  	v9 =	vmul.f32 v9, v9;
	v6 =	vshrl.u32 v6, $0x11  }
0x222: {  	v10 =	vmul.f32 v10, v10  }
0x223: {  	s6 =	simm.s32 $0x400;
	s4 =	simm.s32 $0x20;
	s1 =	simm.s32 $0x80;
	v4 =	vshrl.u32 v13, $0x11;
	v5 =	vshrl.u32 v9, $0x11;
	v9 =	vmul.f32 v11, v11;
	[tilespmem:v12+s20+$0x0] =	vst.idx.add.f32.msk $0xffff, v1  }
.LBB2_29:
0x224: {  	s7 =	sand.u32 $0x7FFFF000, s1;
	s8 =	sand.u32 $0xC00, s6;
	s1 =	sadd.s32 $0x80, s1;
	[tilespmem:v8+s20+$0x0] =	vst.idx.add.f32.msk $0xffff, v1;
	v10 =	vshrl.u32 v10, $0x11  }
0x225: {  	s9 =	sand.u32 $0x380, s4;
	s7 =	sor.u32 s8, s7;
	p0 =	slt.s32 s1, s3;
	[tilespmem:v7+s20+$0x0] =	vst.idx.add.f32.msk $0xffff, v1;
	v9 =	vshrl.u32 v9, $0x11  }
0x226: {  	s7 =	sor.u32 s9, s7;
	[tilespmem:v6+s20+$0x0] =	vst.idx.add.f32.msk $0xffff, v1  }
0x227: {  	v6 =	vld [tilespmem:s7+$0x70]  }
0x228: {  	v7 =	vld [tilespmem:s7+$0x0]  }
0x229: {  	v8 =	vld [tilespmem:s7+$0x10]  }
0x22a: {  	v11 =	vld [tilespmem:s7+$0x20]  }
0x22b: {  	v12 =	vld [tilespmem:s7+$0x30]  }
0x22c: {  	v13 =	vld [tilespmem:s7+$0x40];
	v6 =	vmul.f32 v6, v6  }
0x22d: {  	v7 =	vmul.f32 v7, v7;
	v14 =	vld [tilespmem:s7+$0x50]  }
0x22e: {  	v15 =	vmul.f32 v8, v8;
	v16 =	vld [tilespmem:s7+$0x60];
	v17 =	vshrl.u32 v6, $0x11  }
.Ltmp39:
0x22f: {  	v8 =	vshrl.u32 v7, $0x11;
	v6 =	vmul.f32 v11, v11;
	[tilespmem:v4+s20+$0x0] =	vst.idx.add.f32.msk $0xffff, v1;
	(pc) =	sbr.rel @p0 .LBB2_29-.Ltmp39, $4  }
0x230: {  	v7 =	vshrl.u32 v15, $0x11;
	v4 =	vmul.f32 v12, v12;
	[tilespmem:v5+s20+$0x0] =	vst.idx.add.f32.msk $0xffff, v1  }
0x231: {  	v6 =	vshrl.u32 v6, $0x11;
	v5 =	vmul.f32 v13, v13;
	[tilespmem:v10+s20+$0x0] =	vst.idx.add.f32.msk $0xffff, v1  }
0x232: {  	v4 =	vshrl.u32 v4, $0x11;
	v10 =	vmul.f32 v14, v14;
	[tilespmem:v9+s20+$0x0] =	vst.idx.add.f32.msk $0xffff, v1  }
0x233: {  	s4 =	sadd.s32 $0x20, s4;
	s6 =	sadd.s32 $0x400, s6;
	v5 =	vshrl.u32 v5, $0x11;
	v9 =	vmul.f32 v16, v16;
	[tilespmem:v17+s20+$0x0] =	vst.idx.add.f32.msk $0xffff, v1  }
.LBB2_30:
0x234: {  	_ =	sdelay $0x3  }
0x235: {  	[tilespmem:v8+s20+$0x0] =	vst.idx.add.f32.msk $0xffff, v1;
	v62 =	vshrl.u32 v10, $0x11  }
0x236: {  	[tilespmem:v7+s20+$0x0] =	vst.idx.add.f32.msk $0xffff, v1;
	v63 =	vshrl.u32 v9, $0x11  }
0x237: {  	[tilespmem:v6+s20+$0x0] =	vst.idx.add.f32.msk $0xffff, v1  }
0x238: {  	[tilespmem:v4+s20+$0x0] =	vst.idx.add.f32.msk $0xffff, v1  }
0x239: {  	[tilespmem:v5+s20+$0x0] =	vst.idx.add.f32.msk $0xffff, v1  }
0x23a: {  	[tilespmem:v62+s20+$0x0] =	vst.idx.add.f32.msk $0xffff, v1  }
0x23b: {  	[tilespmem:v63+s20+$0x0] =	vst.idx.add.f32.msk $0xffff, v1  }
.LBB2_31:
0x23c: {  	s1 =	sadd.s32 $0x1B, s5  }
0x23d: {  	p0 =	sgt.s32 s1, $0x0  }
0x23e: {  	s1 =	simm.s32 @!p0 $0x0  }
0x23f: {  	s1 =	smin.u32 s1, $0x200  }
0x240: {  	s8 =	sshll.u32 s1, $0x9  }
0x241: {  	s1 =	smax.u32 s22, s8  }
0x242: {  	s1 =	smin.u32 s23, s1  }
0x243: {  	s9 =	ssub.s32 s1, s22  }
0x244: {  	s1 =	ssub.s32 s9, s3  }
0x245: {  	s6 =	sshra.s32 s1, $0x9  }
0x246: {  	p0 =	sgt.s32 s6, $0x0  }
.Ltmp40:
0x247: {  	_ = 	snop;
	(pc) =	sbr.rel @!p0 .LBB2_49-.Ltmp40, $1  }
0x248: {  	_ =	sdelay $0x3  }
0x249: {  	v3 =	vbroadcast v3, $0x0;
	s10 =	simm.s32 $0x0;
	s11 =	simm.s32 $0x0  }
.LBB2_33:
0x24a: {  	s4 =	sshll.u32 s11, $0x9  }
0x24b: {  	s1 =	sadd.s32 s2, s4  }
0x24c: {  	s5 =	sshrl.u32 s1, $0x9;
	s1 =	simm.s32 $0x20  }
0x24d: {  	s7 =	simm.s32 $0x30;
	s12 =	simm.s32 $0x0;
	s5 =	scvt.s32.f32 s5;
	v4 =	vor.u32 s1, v2  }
0x24e: {  	s14 =	simm.s32 $0x10;
	v5 =	vor.u32 s7, v2;
	v6 =	vor.u32 s12, v2;
	v4 =	vcvt.s32.f32 v4  }
0x24f: {  	v7 =	vor.u32 s14, v2;
	v5 =	vcvt.s32.f32 v5;
	v6 =	vcvt.s32.f32 v6;
	s5 =	ssub.f32 s5, s0  }
0x250: {  	v7 =	vcvt.s32.f32 v7;
	v4 =	vsub.f32 v4, v3  }
0x251: {  	v8 =	vsub.f32 v5, v3;
	v6 =	vsub.f32 v6, v3;
	s5 =	smul.f32 s5, s5  }
0x252: {  	v7 =	vsub.f32 v7, v3;
	v4 =	vmul.f32 v4, v4  }
0x253: {  	v8 =	vmul.f32 v8, v8;
	v6 =	vmul.f32 v6, v6;
	v5 =	vmov s5  }
0x254: {  	v7 =	vmul.f32 v7, v7;
	v4 =	vadd.f32 v4, v5  }
0x255: {  	p1 =	por $0x1, $0x1;
	s4 =	sadd.s32 s3, s4;
	v8 =	vadd.f32 v8, v5;
	v6 =	vadd.f32 v6, v5  }
.Ltmp41:
0x256: {  	s13 =	sshrl.u32 s4, $0x2;
	v7 =	vadd.f32 v7, v5;
	v4 =	vmul.f32 $-3.125000000e-02, v4;
	(pc) =	sbr.rel @!p1 .LBB2_34-.Ltmp41, $4  }
0x257: {  	s31 =	sand.u32 $0x380, s13;
	v8 =	vmul.f32 $-3.125000000e-02, v8;
	v6 =	vmul.f32 $-3.125000000e-02, v6  }
0x258: {  	s15 =	sand.u32 $0xC00, s10;
	v7 =	vmul.f32 $-3.125000000e-02, v7;
	v9 =	vmul.f32 $1.442695020e+00, v4;
	v4 =	vmov s31  }
0x259: {  	p0 =	por $0x0, $0x0;
	s13 =	sand.u32 $0x40, s12;
	s12 =	sand.u32 $0x50, s14;
	v11 =	vmul.f32 $1.442695020e+00, v6;
	v6 =	vmul.f32 $1.442695020e+00, v8  }
0x25a: {  	s14 =	sand.u32 $0x70, s7;
	s5 =	sand.u32 $0xFFFFF000, s4;
	s4 =	simm.s32 $0x70;
	v12 =	vmul.f32 $1.442695020e+00, v7;
	(erf) = vpow2.f32 v9  }
0x25b: {  	v7 =	vor.u32 s4, v2  }
0x25c: {  	v7 =	vcvt.s32.f32 v7  }
0x25d: {  	s7 =	simm.s32 $0x60;
	(erf) = vpow2.f32 v11  }
0x25e: {  	s16 =	simm.s32 $0x40;
	s15 =	sadd.s32 s15, s5;
	s1 =	sand.u32 $0x60, s1;
	v8 =	vor.u32 s7, v2;
	v7 =	vsub.f32 v7, v3  }
0x25f: {  	s17 =	simm.s32 $0x50;
	(erf) = vpow2.f32 v12;
	v9 =	vor.u32 s16, v2;
	s1 =	sadd.s32 s1, s15;
	v8 =	vcvt.s32.f32 v8  }
0x260: {  	v10 =	vor.u32 s17, v2;
	v9 =	vcvt.s32.f32 v9;
	v11 =	vld.idx.msk [tilespmem:v4+s1+$0x0 ss:$0x1], $0xffff;
	v7 =	vmul.f32 v7, v7  }
0x261: {  	s30 =	sadd.s32 s13, s15;
	v10 =	vcvt.s32.f32 v10;
	v8 =	vsub.f32 v8, v3  }
0x262: {  	(erf) = vpow2.f32 v6;
	v6 =	vsub.f32 v9, v3;
	v9 =	vld.idx.msk [tilespmem:v4+s30+$0x0 ss:$0x1], $0xffff;
	v7 =	vadd.f32 v7, v5  }
0x263: {  	v10 =	vsub.f32 v10, v3  }
0x264: {  	s12 =	sadd.s32 s12, s15;
	v8 =	vmul.f32 v8, v8;
	v6 =	vmul.f32 v6, v6;
	v13 =	vpop (erf)  }
0x265: {  	v12 =	vld.idx.msk [tilespmem:v4+s12+$0x0 ss:$0x1], $0xffff;
	v10 =	vmul.f32 v10, v10;
	v11 =	vsub.f32 v11, v13  }
0x266: {  	s31 =	sadd.s32 s14, s15;
	v8 =	vadd.f32 v8, v5;
	v6 =	vadd.f32 v6, v5;
	v13 =	vmul.f32 $-3.125000000e-02, v7;
	v7 =	vpop (erf)  }
0x267: {  	p1 =	por $0x1, $0x1;
	v14 =	vld.idx.msk [tilespmem:v4+s31+$0x0 ss:$0x1], $0xffff;
	v15 =	vadd.f32 v10, v5;
	v10 =	vsub.f32 v9, v7;
	v9 =	vmul.f32 v11, v11  }
.Ltmp42:
0x268: {  	v8 =	vmul.f32 $-3.125000000e-02, v8;
	(pc) =	sbr.rel @!p1 .LBB2_56-.Ltmp42, $4  }
0x269: {  	v6 =	vmul.f32 $-3.125000000e-02, v6;
	v7 =	vpop (erf)  }
0x26a: {  	p0 =	por $0x1, $0x1;
	v7 =	vsub.f32 v12, v7;
	v12 =	vmul.f32 $-3.125000000e-02, v15;
	v15 =	vmul.f32 $1.442695020e+00, v8  }
0x26b: {  	s13 =	sand.u32 $0x40, s16;
	s14 =	sand.u32 $0x70, s4;
	s4 =	simm.s32 $0x200;
	v11 =	vmul.f32 $1.442695020e+00, v6;
	v6 =	vmul.f32 $1.442695020e+00, v13;
	v8 =	vshrl.u32 v9, $0x11;
	v9 =	vpop (erf)  }
0x26c: {  	s12 =	sand.u32 $0x50, s17;
	s15 =	sand.u32 $0xC00, s4;
	s1 =	simm.s32 $0xB0;
	v12 =	vmul.f32 $1.442695020e+00, v12;
	(erf) = vpow2.f32 v15;
	v9 =	vsub.f32 v14, v9  }
.LBB2_57:
0x26d: {  	v13 =	vor.u32 s1, v2;
	s15 =	sadd.s32 s15, s5;
	s16 =	sand.u32 $0x60, s7;
	s7 =	sadd.s32 $0xFFFFFFF0, s1;
	(erf) = vpow2.f32 v11;
	v10 =	vmul.f32 v10, v10  }
0x26e: {  	s17 =	sadd.s32 $0xFFFFFFD0, s1;
	s18 =	sadd.s32 $0xFFFFFFE0, s1;
	v11 =	vor.u32 s7, v2;
	v13 =	vcvt.s32.f32 v13;
	s16 =	sadd.s32 s16, s15;
	(erf) = vpow2.f32 v12  }
0x26f: {  	s19 =	sand.u32 $0x40, s17;
	v12 =	vor.u32 s17, v2;
	s21 =	sand.u32 $0x50, s18;
	v14 =	vor.u32 s18, v2;
	s18 =	sand.u32 $0x70, s1;
	v11 =	vcvt.s32.f32 v11;
	v15 =	vld.idx.msk [tilespmem:v4+s16+$0x0 ss:$0x1], $0xffff  }
0x270: {  	s13 =	sadd.s32 s13, s15;
	v12 =	vcvt.s32.f32 v12;
	v14 =	vcvt.s32.f32 v14;
	s16 =	sadd.s32 s12, s15;
	s15 =	sadd.s32 s14, s15;
	v13 =	vsub.f32 v13, v3;
	[tilespmem:v8+s20+$0x0] =	vst.idx.add.f32.msk $0xffff, v1  }
0x271: {  	p1 =	slt.u32 s17, $0x1C0;
	s12 =	smov.u32 s21;
	v8 =	vsub.f32 v11, v3;
	v11 =	vld.idx.msk [tilespmem:v4+s13+$0x0 ss:$0x1], $0xffff;
	(erf) = vpow2.f32 v6;
	v6 =	vmul.f32 v7, v7;
	s13 =	smov.u32 s19  }
0x272: {  	s14 =	smov.u32 s18;
	v7 =	vsub.f32 v12, v3;
	v12 =	vsub.f32 v14, v3;
	v18 =	vmul.f32 v13, v13;
	v14 =	vld.idx.msk [tilespmem:v4+s16+$0x0 ss:$0x1], $0xffff  }
0x273: {  	v9 =	vmul.f32 v9, v9;
	v17 =	vshrl.u32 v10, $0x11;
	v8 =	vmul.f32 v8, v8;
	v16 =	vld.idx.msk [tilespmem:v4+s15+$0x0 ss:$0x1], $0xffff  }
0x274: {  	v20 =	vmul.f32 v7, v7;
	v10 =	vmul.f32 v12, v12;
	v12 =	vadd.f32 v18, v5  }
0x275: {  	v19 =	vshrl.u32 v9, $0x11;
	v18 =	vshrl.u32 v6, $0x11;
	v8 =	vadd.f32 v8, v5;
	v13 =	vpop (erf)  }
0x276: {  	v6 =	vadd.f32 v20, v5;
	v9 =	vmul.f32 $-3.125000000e-02, v12;
	v12 =	vsub.f32 v15, v13;
	v7 =	vpop (erf)  }
.Ltmp43:
0x277: {  	v13 =	vadd.f32 v10, v5;
	v8 =	vmul.f32 $-3.125000000e-02, v8;
	v10 =	vsub.f32 v11, v7;
	v7 =	vpop (erf);
	(pc) =	sbr.rel @p1 .LBB2_57-.Ltmp43, $4  }
0x278: {  	v6 =	vmul.f32 $-3.125000000e-02, v6;
	v7 =	vsub.f32 v14, v7;
	v12 =	vmul.f32 v12, v12;
	[tilespmem:v17+s20+$0x0] =	vst.idx.add.f32.msk $0xffff, v1  }
0x279: {  	v13 =	vmul.f32 $-3.125000000e-02, v13;
	v14 =	vmul.f32 $1.442695020e+00, v8  }
0x27a: {  	s4 =	sadd.s32 $0x200, s4;
	v11 =	vmul.f32 $1.442695020e+00, v6;
	v6 =	vmul.f32 $1.442695020e+00, v9;
	v8 =	vshrl.u32 v12, $0x11;
	v9 =	vpop (erf);
	[tilespmem:v18+s20+$0x0] =	vst.idx.add.f32.msk $0xffff, v1  }
0x27b: {  	s1 =	sadd.s32 $0x40, s1;
	s15 =	sand.u32 $0xC00, s4;
	v12 =	vmul.f32 $1.442695020e+00, v13;
	(erf) = vpow2.f32 v14;
	v9 =	vsub.f32 v16, v9;
	[tilespmem:v19+s20+$0x0] =	vst.idx.add.f32.msk $0xffff, v1  }
0x27c: {  	s1 =	smov.u32 s7  }
.LBB2_59:
0x27d: {  	(erf) = vpow2.f32 v11  }
0x27e: {  	(erf) = vpow2.f32 v12  }
0x27f: {  	s4 =	sadd.s32 s15, s5;
	s1 =	sand.u32 $0x60, s1;
	(erf) = vpow2.f32 v6  }
0x280: {  	s1 =	sadd.s32 s1, s4  }
0x281: {  	s30 =	sadd.s32 s13, s4;
	v5 =	vld.idx.msk [tilespmem:v4+s1+$0x0 ss:$0x1], $0xffff  }
0x282: {  	s5 =	sadd.s32 s12, s4;
	v57 =	vld.idx.msk [tilespmem:v4+s30+$0x0 ss:$0x1], $0xffff  }
0x283: {  	s31 =	sadd.s32 s14, s4;
	v58 =	vld.idx.msk [tilespmem:v4+s5+$0x0 ss:$0x1], $0xffff  }
0x284: {  	v10 =	vmul.f32 @p0 v10, v10;
	v4 =	vld.idx.msk [tilespmem:v4+s31+$0x0 ss:$0x1], $0xffff  }
0x285: {  	v7 =	vmul.f32 @p0 v7, v7;
	v59 =	vpop (erf)  }
0x286: {  	v9 =	vmul.f32 @p0 v9, v9;
	v10 =	vshrl.u32 @p0 v10, $0x11;
	v5 =	vsub.f32 v5, v59;
	v60 =	vpop (erf)  }
0x287: {  	v7 =	vshrl.u32 @p0 v7, $0x11;
	v6 =	vsub.f32 v57, v60;
	v61 =	vpop (erf)  }
0x288: {  	v9 =	vshrl.u32 @p0 v9, $0x11;
	v5 =	vmul.f32 v5, v5;
	v11 =	vsub.f32 v58, v61;
	v62 =	vpop (erf)  }
0x289: {  	v4 =	vsub.f32 v4, v62;
	v6 =	vmul.f32 v6, v6  }
0x28a: {  	[tilespmem:v8+s20+$0x0] =	vst.idx.add.f32.msk @p0 $0xffff, v1;
	v5 =	vshrl.u32 v5, $0x11;
	v11 =	vmul.f32 v11, v11  }
0x28b: {  	[tilespmem:v10+s20+$0x0] =	vst.idx.add.f32.msk @p0 $0xffff, v1;
	v6 =	vshrl.u32 v6, $0x11;
	v4 =	vmul.f32 v4, v4  }
0x28c: {  	s11 =	sadd.s32 $0x1, s11;
	[tilespmem:v7+s20+$0x0] =	vst.idx.add.f32.msk @p0 $0xffff, v1;
	v63 =	vshrl.u32 v11, $0x11  }
0x28d: {  	[tilespmem:v9+s20+$0x0] =	vst.idx.add.f32.msk @p0 $0xffff, v1;
	p0 =	seq.s32 s11, s6;
	v4 =	vshrl.u32 v4, $0x11  }
.Ltmp44:
0x28e: {  	_ = 	snop;
	(pc) =	sbr.rel @!p0 .LBB2_33-.Ltmp44, $4  }
.Ltmp45:
0x28f: {  	[tilespmem:v5+s20+$0x0] =	vst.idx.add.f32.msk $0xffff, v1;
	(pc) =	sbr.rel @p0 .LBB2_49-.Ltmp45, $4  }
0x290: {  	[tilespmem:v6+s20+$0x0] =	vst.idx.add.f32.msk $0xffff, v1  }
0x291: {  	[tilespmem:v63+s20+$0x0] =	vst.idx.add.f32.msk $0xffff, v1  }
0x292: {  	[tilespmem:v4+s20+$0x0] =	vst.idx.add.f32.msk $0xffff, v1  }
0x293: {  	_ = 	snop  }
.LBB2_34:
.Ltmp46:
0x294: {  	(pc) =	sbr.rel .LBB2_59-.Ltmp46, $2  }
0x295: {  	_ =	sdelay $0x2  }
0x296: {  	_ = 	snop  }
.LBB2_56:
.Ltmp47:
0x297: {  	(pc) =	sbr.rel .LBB2_59-.Ltmp47, $2  }
0x298: {  	_ =	sdelay $0x2  }
0x299: {  	s1 =	simm.s32 $0x60  }
.LBB2_49:
0x29a: {  	p0 =	sgt.s32 s9, $0x7FFF  }
.Ltmp48:
0x29b: {  	_ = 	snop;
	(pc) =	sbr.rel @p0 .LBB2_53-.Ltmp48, $2  }
0x29c: {  	_ =	sdelay $0x2  }
0x29d: {  	s3 =	rddreg [dreg:$0xf]  }
0x29e: {  	s0 =	rddreg [dreg:$0x9]  }
0x29f: {  	s1 =	rddreg [dreg:$0xc];
	s0 =	smax.u32 s0, s8  }
0x2a0: {  	s29 =	rddreg [dreg:$0xb];
	s0 =	smin.u32 s0, s1  }
0x2a1: {  	s30 =	rddreg [dreg:$0xd];
	s2 =	sshll.u32 s0, $0x3;
	s1 =	sadd.s32 s0, s29  }
0x2a2: {  	s0 =	sadd.s32 s2, s30;
	s1 =	sadd.s32 $0x80, s1  }
0x2a3: {  	s31 =	sand.u32 $0xFFFFF000, s1;
	s3 =	sand.u32 $0xC00, s0;
	s4 =	sshrl.u32 s1, $0x2  }
0x2a4: {  	s4 =	sand.u32 $0x380, s4;
	s2 =	sor.u32 s3, s31  }
0x2a5: {  	s2 =	sor.u32 s4, s2  }
0x2a6: {  	v3 =	vld [tilespmem:s2+$0x70]  }
0x2a7: {  	v4 =	vld [tilespmem:s2+$0x0]  }
0x2a8: {  	v5 =	vld [tilespmem:s2+$0x10]  }
0x2a9: {  	v8 =	vld [tilespmem:s2+$0x30]  }
0x2aa: {  	v6 =	vld [tilespmem:s2+$0x20];
	_ =	sdelay $0x1  }
0x2ab: {  	v9 =	vld [tilespmem:s2+$0x40];
	v3 =	vmul.f32 v3, v3  }
0x2ac: {  	p0 =	slt.s32 s1, $0x7F80;
	v11 =	vld [tilespmem:s2+$0x50];
	v4 =	vmul.f32 v4, v4  }
.Ltmp49:
0x2ad: {  	v5 =	vmul.f32 v5, v5;
	v7 =	vshrl.u32 v3, $0x11;
	v3 =	vmul.f32 v8, v8;
	v8 =	vld [tilespmem:s2+$0x60];
	(pc) =	sbr.rel @!p0 .LBB2_52-.Ltmp49, $4  }
0x2ae: {  	v10 =	vmul.f32 v6, v6;
	v6 =	vshrl.u32 v4, $0x11  }
0x2af: {  	v5 =	vshrl.u32 v5, $0x11  }
0x2b0: {  	v4 =	vshrl.u32 v10, $0x11;
	v10 =	vmul.f32 v9, v9  }
0x2b1: {  	v9 =	vmul.f32 v11, v11;
	v3 =	vshrl.u32 v3, $0x11  }
.LBB2_51:
0x2b2: {  	s1 =	sadd.s32 $0x80, s1;
	v10 =	vshrl.u32 v10, $0x11;
	v8 =	vmul.f32 v8, v8;
	[tilespmem:v7+s20+$0x0] =	vst.idx.add.f32.msk $0xffff, v1;
	s0 =	sadd.s32 $0x400, s0  }
0x2b3: {  	v9 =	vshrl.u32 v9, $0x11;
	s2 =	sand.u32 $0xFFFFF000, s1;
	s3 =	sand.u32 $0xC00, s0;
	s4 =	sshrl.u32 s1, $0x2;
	[tilespmem:v6+s20+$0x0] =	vst.idx.add.f32.msk $0xffff, v1  }
0x2b4: {  	p0 =	slt.s32 s1, $0x7F80;
	s4 =	sand.u32 $0x380, s4;
	s2 =	sor.u32 s3, s2;
	[tilespmem:v5+s20+$0x0] =	vst.idx.add.f32.msk $0xffff, v1;
	v11 =	vshrl.u32 v8, $0x11  }
0x2b5: {  	s2 =	sor.u32 s4, s2;
	[tilespmem:v4+s20+$0x0] =	vst.idx.add.f32.msk $0xffff, v1  }
0x2b6: {  	v4 =	vld [tilespmem:s2+$0x70]  }
0x2b7: {  	v5 =	vld [tilespmem:s2+$0x0]  }
0x2b8: {  	v6 =	vld [tilespmem:s2+$0x10]  }
0x2b9: {  	v12 =	vld [tilespmem:s2+$0x20]  }
0x2ba: {  	v13 =	vld [tilespmem:s2+$0x30]  }
0x2bb: {  	v14 =	vld [tilespmem:s2+$0x40];
	v4 =	vmul.f32 v4, v4  }
0x2bc: {  	v5 =	vmul.f32 v5, v5;
	v15 =	vld [tilespmem:s2+$0x50]  }
.Ltmp50:
0x2bd: {  	v16 =	vmul.f32 v6, v6;
	v8 =	vld [tilespmem:s2+$0x60];
	v7 =	vshrl.u32 v4, $0x11;
	(pc) =	sbr.rel @p0 .LBB2_51-.Ltmp50, $4  }
0x2be: {  	v6 =	vshrl.u32 v5, $0x11;
	v4 =	vmul.f32 v12, v12;
	[tilespmem:v3+s20+$0x0] =	vst.idx.add.f32.msk $0xffff, v1  }
0x2bf: {  	v5 =	vshrl.u32 v16, $0x11;
	v3 =	vmul.f32 v13, v13;
	[tilespmem:v10+s20+$0x0] =	vst.idx.add.f32.msk $0xffff, v1  }
0x2c0: {  	v4 =	vshrl.u32 v4, $0x11;
	v10 =	vmul.f32 v14, v14;
	[tilespmem:v9+s20+$0x0] =	vst.idx.add.f32.msk $0xffff, v1  }
0x2c1: {  	v3 =	vshrl.u32 v3, $0x11;
	v9 =	vmul.f32 v15, v15;
	[tilespmem:v11+s20+$0x0] =	vst.idx.add.f32.msk $0xffff, v1  }
.Ltmp51:
0x2c2: {  	_ = 	snop;
	(pc) =	sbr.rel .LBB2_52-.Ltmp51, $1  }
0x2c3: {  	_ =	sdelay $0x3  }
.LBB2_54:
0x2c4: {  	_ =	sfence.sel $0x180000  }
0x2c5: {  	[bflag:$0x0] =	sbarrier.arrive $0xFFFF  }
0x2c6: {  	_ =	strace $0x90000047  }
0x2c7: {  	s0 =	stileid.u32;
	[bflag:$0x2] =	sbarrier.arrive $0xFFFF  }
0x2c8: {  	p0 =	sne.s32 s0, $0x0;
	s0 =	rddreg [dreg:$0x2]  }
0x2c9: {  	s0 =	sadd.s32 @!p0 $0x100000, s0  }
0x2ca: {  	[sflag:s0] =	ssyncadd.tile.s32 @!p0 $0x1;
	_ =	shalt  }
.Lfunc_end2:
_tile_overlayer_lowered:
.L_overlay_start_2:
0x2cb: {  	(tag) =	ssettag $0x2  }
0x2cc: {  	s0 =	rddreg [dreg:$0x0];
	s2 =	stileid.u32  }
0x2cd: {  	s1 =	rddreg [dreg:$0x1];
	p0 =	sne.s32 s2, $0x0  }
0x2ce: {  	s3 =	rddreg [dreg:$0x2];
	[bflag:$0x3] =	sbarrier.arrive $0xFFFF;
	s2 =	simm.s32 @!p0 $0x1C03  }
0x2cf: {  	[timem:s3], [sflag:s2] =	dma.local @!p0 [hbm:s0], s1  }
0x2d0: {  	s0 =	simm.s32 @!p0 $0x3  }
0x2d1: {  	_ =	swait.ge @!p0 [sflag:s0], s1  }
0x2d2: {  	s1 =	ssub.s32 @!p0 $0x0, s1;
	[sflag:s0] =	ssyncset.done @!p0 $0x0  }
0x2d3: {  	[sflag:s0] =	ssyncadd.s32 @!p0 s1  }
0x2d4: {  	[bflag:$0x3] =	sbarrier.arrive $0xFFFF  }
0x2d5: {  	_ =	shalt  }

</sc_bundles>
